<compile_context>
chip_gen: v7x
topology: tpu7x:2x2x1
jax: 0.10.2.dev20260603
libtpu: 0.0.44.dev20260713+nightly
codegen_flags: <defaults>
</compile_context>

<pallas_src>
import functools

import jax
import jax.numpy as jnp
from jax import lax
from jax.experimental import pallas as pl
from jax.experimental.pallas import tpu as pltpu
import jax.experimental.pallas.tpu_sc as plsc

N = 10000
E = 320000
DIN = 128
DH = 16
DOUT = 128

NC = 2
NS = 16
NW = NC * NS
L = 16

CHUNK = 128
CHUNKS = -(-E // (NW * CHUNK))
E_PAD = NW * CHUNKS * CHUNK
CHUNKS_ALLOC = CHUNKS + 1
N_PAD = 10112
STRIPE = N_PAD // NS

_SC_MESH = plsc.VectorSubcoreMesh(core_axis_name="c", subcore_axis_name="s")
_SC_PARAMS = pltpu.CompilerParams(use_tc_tiling_on_sc=False)


def _zero_stripe(bounce_v, accum_sh, sid):
    zvec = jnp.zeros((L,), jnp.float32)

    def zb(i, c):
        bounce_v[i, :] = zvec
        return c

    lax.fori_loop(0, STRIPE, zb, 0)
    pltpu.sync_copy(bounce_v, accum_sh.at[pl.ds(sid * STRIPE, STRIPE)])


def _readout_stripe(accum_sh, out_hbm, cid, sid):
    pltpu.sync_copy(
        accum_sh.at[pl.ds(sid * STRIPE, STRIPE)],
        out_hbm.at[cid, pl.ds(sid * STRIPE, STRIPE)],
    )


def _deg_body(dst_hbm, out_hbm, dst_v, ones_v, zero_v, deg_sh, sems):
    cid = lax.axis_index("c")
    sid = lax.axis_index("s")
    wid = sid * NC + cid
    pltpu.sync_copy(dst_hbm.at[wid], dst_v)

    ones = jnp.full((L,), 1.0, jnp.float32)
    zeros = jnp.zeros((L,), jnp.float32)
    for i in range(CHUNK // L):
        ones_v[pl.ds(i * L, L)] = ones

    def zb(i, c):
        zero_v[pl.ds(i * L, L)] = zeros
        return c

    lax.fori_loop(0, STRIPE // L, zb, 0)
    zero_v[pl.ds(STRIPE - L, L)] = zeros
    pltpu.sync_copy(zero_v, deg_sh.at[pl.ds(sid * STRIPE, STRIPE)])
    plsc.subcore_barrier()

    pltpu.async_copy(ones_v, deg_sh.at[dst_v.at[0]], sems.at[0], add=True)

    def chunk(j, c):
        b = lax.rem(j, 2)
        pltpu.async_copy(ones_v, deg_sh.at[dst_v.at[j]], sems.at[b], add=True)
        pltpu.make_async_copy(ones_v, deg_sh.at[dst_v.at[j - 1]],
                              sems.at[1 - b]).wait()
        return c

    lax.fori_loop(1, CHUNKS, chunk, 0)
    pltpu.make_async_copy(ones_v, deg_sh.at[dst_v.at[CHUNKS - 1]],
                          sems.at[(CHUNKS - 1) % 2]).wait()
    plsc.subcore_barrier()
    pltpu.sync_copy(deg_sh.at[pl.ds(sid * STRIPE, STRIPE)],
                    out_hbm.at[cid, pl.ds(sid * STRIPE, STRIPE)])


_sc_degree = pl.kernel(
    _deg_body,
    out_type=jax.ShapeDtypeStruct((NC, N_PAD), jnp.float32),
    mesh=_SC_MESH,
    compiler_params=_SC_PARAMS,
    scratch_types=[
        pltpu.VMEM((CHUNKS_ALLOC, CHUNK), jnp.int32),
        pltpu.VMEM((CHUNK,), jnp.float32),
        pltpu.VMEM((STRIPE,), jnp.float32),
        pltpu.VMEM_SHARED((N_PAD,), jnp.float32),
        pltpu.SemaphoreType.DMA((2,)),
    ],
)


def _agg_body(src_hbm, dst_hbm, g_hbm, out_hbm, src_v, dst_v, rows_v, bounce_v,
              g_sh, accum_sh, gsems, ssems):
    cid = lax.axis_index("c")
    sid = lax.axis_index("s")
    wid = sid * NC + cid
    pltpu.sync_copy(src_hbm.at[wid], src_v)
    pltpu.sync_copy(dst_hbm.at[wid], dst_v)
    pltpu.sync_copy(g_hbm.at[pl.ds(sid * STRIPE, STRIPE)],
                    g_sh.at[pl.ds(sid * STRIPE, STRIPE)])
    _zero_stripe(bounce_v, accum_sh, sid)
    plsc.subcore_barrier()

    pltpu.async_copy(g_sh.at[src_v.at[0]], rows_v.at[0], gsems.at[0])
    pltpu.async_copy(g_sh.at[src_v.at[1]], rows_v.at[1], gsems.at[1])
    pltpu.make_async_copy(g_sh.at[src_v.at[0]], rows_v.at[0],
                          gsems.at[0]).wait()
    pltpu.async_copy(rows_v.at[0], accum_sh.at[dst_v.at[0]], ssems.at[0],
                     add=True)

    def chunk(j, c):
        b = lax.rem(j, 2)
        pb = 1 - b
        pltpu.make_async_copy(rows_v.at[pb], accum_sh.at[dst_v.at[j - 1]],
                              ssems.at[pb]).wait()
        pltpu.async_copy(g_sh.at[src_v.at[j + 1]], rows_v.at[pb],
                         gsems.at[pb])
        pltpu.make_async_copy(g_sh.at[src_v.at[j]], rows_v.at[b],
                              gsems.at[b]).wait()
        pltpu.async_copy(rows_v.at[b], accum_sh.at[dst_v.at[j]], ssems.at[b],
                         add=True)
        return c

    lax.fori_loop(1, CHUNKS, chunk, 0)
    bl = (CHUNKS - 1) % 2
    pltpu.make_async_copy(rows_v.at[bl], accum_sh.at[dst_v.at[CHUNKS - 1]],
                          ssems.at[bl]).wait()
    pltpu.make_async_copy(g_sh.at[src_v.at[CHUNKS]], rows_v.at[1 - bl],
                          gsems.at[1 - bl]).wait()
    plsc.subcore_barrier()
    _readout_stripe(accum_sh, out_hbm, cid, sid)


_sc_agg = pl.kernel(
    _agg_body,
    out_type=jax.ShapeDtypeStruct((NC, N_PAD, L), jnp.float32),
    mesh=_SC_MESH,
    compiler_params=_SC_PARAMS,
    scratch_types=[
        pltpu.VMEM((CHUNKS_ALLOC, CHUNK), jnp.int32),
        pltpu.VMEM((CHUNKS_ALLOC, CHUNK), jnp.int32),
        pltpu.VMEM((2, CHUNK, L), jnp.float32),
        pltpu.VMEM((STRIPE, L), jnp.float32),
        pltpu.VMEM_SHARED((N_PAD, L), jnp.float32),
        pltpu.VMEM_SHARED((N_PAD, L), jnp.float32),
        pltpu.SemaphoreType.DMA((2,)),
        pltpu.SemaphoreType.DMA((2,)),
    ],
)


NP8 = N_PAD // 8


def _tc_pre_body(x_ref, w1b_ref, degp_ref, bmat_ref, g1_ref, dinv_ref):
    h1 = jnp.dot(x_ref[...], w1b_ref[...], preferred_element_type=jnp.float32)
    dinvc = lax.rsqrt(degp_ref[0] + degp_ref[1] + 1.0)
    dinvb = jnp.dot(dinvc, bmat_ref[...],
                    preferred_element_type=jnp.float32)
    dinv_ref[...] = dinvb
    g1_ref[...] = h1 * dinvb


_tc_pre = pl.pallas_call(
    _tc_pre_body,
    out_shape=[
        jax.ShapeDtypeStruct((NP8, 128), jnp.float32),
        jax.ShapeDtypeStruct((NP8, 128), jnp.float32),
    ],
)


def _tc_mid_body(a1p_ref, g1_ref, dinv_ref, b1_ref, g2_ref):
    s = (a1p_ref[0] + a1p_ref[1] + g1_ref[...]) * dinv_ref[...]
    z1 = jnp.maximum(s + b1_ref[...], 0.0)
    g2_ref[...] = z1 * dinv_ref[...]


_tc_mid = pl.pallas_call(
    _tc_mid_body,
    out_shape=jax.ShapeDtypeStruct((NP8, 128), jnp.float32),
)


def _tc_post_body(a2p_ref, g2_ref, dinv_ref, w2b_ref, b2_ref, out_ref):
    a2 = (a2p_ref[0] + a2p_ref[1] + g2_ref[...]) * dinv_ref[...]
    h = jnp.dot(a2, w2b_ref[...], preferred_element_type=jnp.float32)
    out_ref[...] = jnp.maximum(h + b2_ref[...], 0.0)


_tc_post = pl.pallas_call(
    _tc_post_body,
    out_shape=jax.ShapeDtypeStruct((NP8, 8 * DOUT), jnp.float32),
)


def kernel(x, edge_index, W1, b1, W2, b2):
    src = edge_index[0].astype(jnp.int32)
    dst = edge_index[1].astype(jnp.int32)
    pad_e = E_PAD - E
    src_t = jnp.concatenate([src, jnp.zeros((pad_e,), jnp.int32)])
    src_t = src_t.reshape(NW, CHUNKS, CHUNK)
    src_t = jnp.concatenate(
        [src_t, jnp.zeros((NW, 1, CHUNK), jnp.int32)], axis=1)
    dst_t = jnp.concatenate([dst, jnp.full((pad_e,), N, jnp.int32)])
    dst_t = dst_t.reshape(NW, CHUNKS, CHUNK)
    dst_t = jnp.concatenate(
        [dst_t, jnp.full((NW, 1, CHUNK), N, jnp.int32)], axis=1)
    x_pad = jnp.concatenate([x, jnp.zeros((N_PAD - N, DIN), jnp.float32)])
    x2 = x_pad.reshape(NP8, 8 * DIN)
    eye8 = jnp.eye(8, dtype=jnp.float32)
    w1b = jnp.kron(eye8, W1)
    w2b = jnp.kron(eye8, W2)
    b1p = jnp.tile(b1, 8).reshape(1, 128)
    b2p = jnp.tile(b2, 8).reshape(1, 8 * DOUT)

    bmat = jnp.kron(eye8, jnp.ones((1, L), jnp.float32))

    def packed(a):
        return a.reshape(NC, NP8, 128)

    degp = _sc_degree(dst_t).reshape(NC, NP8, 8)
    g1, dinvb = _tc_pre(x2, w1b, degp, bmat)
    a1p = packed(_sc_agg(src_t, dst_t, g1.reshape(N_PAD, L)))
    g2 = _tc_mid(a1p, g1, dinvb, b1p)
    a2p = packed(_sc_agg(src_t, dst_t, g2.reshape(N_PAD, L)))
    out = _tc_post(a2p, g2, dinvb, w2b, b2p)
    return out.reshape(N_PAD, DOUT)[:N]

# --- scband reference (transcript-rebuilt; emitter-appended) ---
"""Pipeline reference for scband-gcn-30726196036175 (READ-ONLY COPY).

The authoritative reference and input builder live on the scoring server;
editing this copy changes nothing except your own understanding.
"""

import jax, jax.numpy as jnp
import numpy as np

N_NODES = 10000
N_EDGES = 320000
D_IN = 128
D_HID = 16
D_OUT = 128


def setup_inputs(seed: int = 0) -> dict:
    key = jax.random.key(seed)
    k_x, k_e, k_w1, k_b1, k_w2, k_b2 = jax.random.split(key, 6)
    x = jax.random.normal(k_x, (N_NODES, D_IN), dtype=jnp.float32)
    edge_index = jax.random.randint(k_e, (2, N_EDGES), 0, N_NODES, dtype=jnp.int64)
    s1 = 1.0 / np.sqrt(D_IN)
    s2 = 1.0 / np.sqrt(D_HID)
    W1 = jax.random.uniform(k_w1, (D_IN, D_HID), dtype=jnp.float32, minval=-s1, maxval=s1)
    b1 = jax.random.uniform(k_b1, (D_HID,), dtype=jnp.float32, minval=-s1, maxval=s1)
    W2 = jax.random.uniform(k_w2, (D_HID, D_OUT), dtype=jnp.float32, minval=-s2, maxval=s2)
    b2 = jax.random.uniform(k_b2, (D_OUT,), dtype=jnp.float32, minval=-s2, maxval=s2)
    return {"x": x, "edge_index": edge_index, "W1": W1, "b1": b1, "W2": W2, "b2": b2}


def _gcn_conv(x, edge_index, W, b):
    # PyG GCNConv: x' = D^{-1/2} (A + I) D^{-1/2} X W + b
    N = x.shape[0]
    loop = jnp.arange(N, dtype=edge_index.dtype)
    src = jnp.concatenate([edge_index[0], loop])
    dst = jnp.concatenate([edge_index[1], loop])
    deg = jnp.zeros((N,), dtype=x.dtype).at[dst].add(jnp.ones_like(dst, dtype=x.dtype))
    deg_inv_sqrt = jnp.where(deg > 0, 1.0 / jnp.sqrt(jnp.maximum(deg, 1e-12)), 0.0)
    norm = deg_inv_sqrt[src] * deg_inv_sqrt[dst]
    h = x @ W
    msg = jnp.take(h, src, axis=0) * norm[:, None]
    out = jnp.zeros((N, W.shape[1]), dtype=x.dtype).at[dst].add(msg)
    return out + b


def reference(x, edge_index, W1, b1, W2, b2):
    h = _gcn_conv(x, edge_index, W1, b1)
    h = jax.nn.relu(h)
    h = _gcn_conv(h, edge_index, W2, b2)
    h = jax.nn.relu(h)
    return h

if __name__ == "__main__":
    import jax
    _d = setup_inputs()
    print(jax.jit(kernel)(*tuple(_d.values())))

</pallas_src>

<mosaic_0001>
#map = affine_map<(d0, d1) -> (0, 0, 0)>
#map1 = affine_map<(d0, d1) -> (0, 0)>
module attributes {stable_mosaic.version = 14 : i64} {
  func.func @_deg_body(%arg0: i32, %arg1: i32, %arg2: memref<32x80x128xi32, #tpu.memory_space<hbm>>, %arg3: memref<2x10112xf32, #tpu.memory_space<hbm>>, %arg4: memref<80x128xi32, #tpu.memory_space<vmem>>, %arg5: memref<128xf32, #tpu.memory_space<vmem>>, %arg6: memref<632xf32, #tpu.memory_space<vmem>>, %arg7: memref<10112xf32, #tpu.memory_space<vmem_shared>>, %arg8: memref<2x!tpu.dma_semaphore, #tpu.memory_space<semaphore_mem>>) attributes {dimension_semantics = [#tpu.dimension_semantics<core_parallel>, #tpu.dimension_semantics<subcore_parallel>], iteration_bounds = array<i64: 2, 16>, scalar_prefetch = 0 : i64, scratch_operands = 5 : i64, tpu.core_type = #tpu.core_type<sc_vector_subcore>, window_params = [{transform_indices = #map}, {transform_indices = #map1}]} {
    %mul3A = arith.constant 2 : i32
    %mul3A_0 = arith.muli %arg1, %mul3A : i32
    %add3A = arith.addi %mul3A_0, %arg0 : i32
    "tpu.region"() ({
      %run_scoped3A = tpu.sem_alloc : memref<!tpu.dma_semaphore, #tpu.memory_space<semaphore_mem>>
      %dma_start3A_73 = arith.constant 0 : i32
      %dma_start3A_74 = arith.constant 0 : i32
      %dma_start3A_75 = tpu.memref_slice %arg2[%add3A, %dma_start3A_73, %dma_start3A_74] : memref<32x80x128xi32, #tpu.memory_space<hbm>> -> memref<1x80x128xi32, #tpu.memory_space<hbm>>
      %dma_start3A_76 = tpu.memref_squeeze %dma_start3A_75 : memref<1x80x128xi32, #tpu.memory_space<hbm>> -> memref<80x128xi32, #tpu.memory_space<hbm>>
      %dma_start3A_77 = arith.constant 0 : i32
      %dma_start3A_78 = arith.constant 0 : i32
      %dma_start3A_79 = tpu.memref_slice %arg2[%add3A, %dma_start3A_77, %dma_start3A_78] : memref<32x80x128xi32, #tpu.memory_space<hbm>> -> memref<1x80x128xi32, #tpu.memory_space<hbm>>
      %dma_start3A_80 = tpu.memref_squeeze %dma_start3A_79 : memref<1x80x128xi32, #tpu.memory_space<hbm>> -> memref<80x128xi32, #tpu.memory_space<hbm>>
      tpu.enqueue_dma source(%dma_start3A_80 : memref<80x128xi32, #tpu.memory_space<hbm>>) target(%arg4 : memref<80x128xi32, #tpu.memory_space<vmem>>) target_semaphore(%run_scoped3A : memref<!tpu.dma_semaphore, #tpu.memory_space<semaphore_mem>>)
      %dma_wait3A_81 = arith.constant 0 : i32
      %dma_wait3A_82 = arith.constant 0 : i32
      %dma_wait3A_83 = tpu.memref_slice %arg2[%add3A, %dma_wait3A_81, %dma_wait3A_82] : memref<32x80x128xi32, #tpu.memory_space<hbm>> -> memref<1x80x128xi32, #tpu.memory_space<hbm>>
      %dma_wait3A_84 = tpu.memref_squeeze %dma_wait3A_83 : memref<1x80x128xi32, #tpu.memory_space<hbm>> -> memref<80x128xi32, #tpu.memory_space<hbm>>
      %dma_wait3A_85 = arith.constant 0 : i32
      %dma_wait3A_86 = arith.constant 0 : i32
      %dma_wait3A_87 = tpu.memref_slice %arg2[%add3A, %dma_wait3A_85, %dma_wait3A_86] : memref<32x80x128xi32, #tpu.memory_space<hbm>> -> memref<1x80x128xi32, #tpu.memory_space<hbm>>
      %dma_wait3A_88 = tpu.memref_squeeze %dma_wait3A_87 : memref<1x80x128xi32, #tpu.memory_space<hbm>> -> memref<80x128xi32, #tpu.memory_space<hbm>>
      tpu.wait_dma2 semaphore(%run_scoped3A : memref<!tpu.dma_semaphore, #tpu.memory_space<semaphore_mem>>) src(%dma_wait3A_88 : memref<80x128xi32, #tpu.memory_space<hbm>>) dst(%arg4 : memref<80x128xi32, #tpu.memory_space<vmem>>)
      tpu.yield
    }) : () -> ()
    %broadcast_in_dim3A = arith.constant 1.000000e+00 : f32
    %broadcast_in_dim3A_1 = vector.broadcast %broadcast_in_dim3A : f32 to vector<16xf32>
    %broadcast_in_dim3A_2 = arith.constant 0.000000e+00 : f32
    %broadcast_in_dim3A_3 = vector.broadcast %broadcast_in_dim3A_2 : f32 to vector<16xf32>
    %swap3A = arith.constant 0 : index
    %swap3A_4 = tpu.vector_load %arg5[%swap3A] {strides = array<i32>} : memref<128xf32, #tpu.memory_space<vmem>>, vector<16xf32>,
    %swap3A_5 = vector.shape_cast %swap3A_4 : vector<16xf32> to vector<16xf32>
    %swap3A_6 = vector.shape_cast %broadcast_in_dim3A_1 : vector<16xf32> to vector<16xf32>
    tpu.vector_store %arg5[%swap3A], %swap3A_6 {strides = array<i32>} : memref<128xf32, #tpu.memory_space<vmem>>, vector<16xf32>,
    %swap3A_7 = arith.constant 16 : index
    %swap3A_8 = tpu.vector_load %arg5[%swap3A_7] {strides = array<i32>} : memref<128xf32, #tpu.memory_space<vmem>>, vector<16xf32>,
    %swap3A_9 = vector.shape_cast %swap3A_8 : vector<16xf32> to vector<16xf32>
    %swap3A_10 = vector.shape_cast %broadcast_in_dim3A_1 : vector<16xf32> to vector<16xf32>
    tpu.vector_store %arg5[%swap3A_7], %swap3A_10 {strides = array<i32>} : memref<128xf32, #tpu.memory_space<vmem>>, vector<16xf32>,
    %swap3A_11 = arith.constant 32 : index
    %swap3A_12 = tpu.vector_load %arg5[%swap3A_11] {strides = array<i32>} : memref<128xf32, #tpu.memory_space<vmem>>, vector<16xf32>,
    %swap3A_13 = vector.shape_cast %swap3A_12 : vector<16xf32> to vector<16xf32>
    %swap3A_14 = vector.shape_cast %broadcast_in_dim3A_1 : vector<16xf32> to vector<16xf32>
    tpu.vector_store %arg5[%swap3A_11], %swap3A_14 {strides = array<i32>} : memref<128xf32, #tpu.memory_space<vmem>>, vector<16xf32>,
    %swap3A_15 = arith.constant 48 : index
    %swap3A_16 = tpu.vector_load %arg5[%swap3A_15] {strides = array<i32>} : memref<128xf32, #tpu.memory_space<vmem>>, vector<16xf32>,
    %swap3A_17 = vector.shape_cast %swap3A_16 : vector<16xf32> to vector<16xf32>
    %swap3A_18 = vector.shape_cast %broadcast_in_dim3A_1 : vector<16xf32> to vector<16xf32>
    tpu.vector_store %arg5[%swap3A_15], %swap3A_18 {strides = array<i32>} : memref<128xf32, #tpu.memory_space<vmem>>, vector<16xf32>,
    %swap3A_19 = arith.constant 64 : index
    %swap3A_20 = tpu.vector_load %arg5[%swap3A_19] {strides = array<i32>} : memref<128xf32, #tpu.memory_space<vmem>>, vector<16xf32>,
    %swap3A_21 = vector.shape_cast %swap3A_20 : vector<16xf32> to vector<16xf32>
    %swap3A_22 = vector.shape_cast %broadcast_in_dim3A_1 : vector<16xf32> to vector<16xf32>
    tpu.vector_store %arg5[%swap3A_19], %swap3A_22 {strides = array<i32>} : memref<128xf32, #tpu.memory_space<vmem>>, vector<16xf32>,
    %swap3A_23 = arith.constant 80 : index
    %swap3A_24 = tpu.vector_load %arg5[%swap3A_23] {strides = array<i32>} : memref<128xf32, #tpu.memory_space<vmem>>, vector<16xf32>,
    %swap3A_25 = vector.shape_cast %swap3A_24 : vector<16xf32> to vector<16xf32>
    %swap3A_26 = vector.shape_cast %broadcast_in_dim3A_1 : vector<16xf32> to vector<16xf32>
    tpu.vector_store %arg5[%swap3A_23], %swap3A_26 {strides = array<i32>} : memref<128xf32, #tpu.memory_space<vmem>>, vector<16xf32>,
    %swap3A_27 = arith.constant 96 : index
    %swap3A_28 = tpu.vector_load %arg5[%swap3A_27] {strides = array<i32>} : memref<128xf32, #tpu.memory_space<vmem>>, vector<16xf32>,
    %swap3A_29 = vector.shape_cast %swap3A_28 : vector<16xf32> to vector<16xf32>
    %swap3A_30 = vector.shape_cast %broadcast_in_dim3A_1 : vector<16xf32> to vector<16xf32>
    tpu.vector_store %arg5[%swap3A_27], %swap3A_30 {strides = array<i32>} : memref<128xf32, #tpu.memory_space<vmem>>, vector<16xf32>,
    %swap3A_31 = arith.constant 112 : index
    %swap3A_32 = tpu.vector_load %arg5[%swap3A_31] {strides = array<i32>} : memref<128xf32, #tpu.memory_space<vmem>>, vector<16xf32>,
    %swap3A_33 = vector.shape_cast %swap3A_32 : vector<16xf32> to vector<16xf32>
    %swap3A_34 = vector.shape_cast %broadcast_in_dim3A_1 : vector<16xf32> to vector<16xf32>
    tpu.vector_store %arg5[%swap3A_31], %swap3A_34 {strides = array<i32>} : memref<128xf32, #tpu.memory_space<vmem>>, vector<16xf32>,
    %scan3A = arith.constant 0 : i32
    %scan3A_35 = arith.constant 0 : i32
    %scan3A_36 = arith.constant 39 : i32
    %scan3A_37 = arith.addi %scan3A_35, %scan3A_36 : i32
    %scan3A_38 = arith.constant 1 : i32
    scf.for %scan3A_73 = %scan3A_35 to %scan3A_37 step %scan3A_38  : i32 {
      %mul3A_74 = arith.constant 16 : i32
      %mul3A_75 = arith.muli %scan3A_73, %mul3A_74 : i32
      %swap3A_76 = arith.index_cast %mul3A_75 : i32 to index
      %swap3A_77 = tpu.vector_load %arg6[%swap3A_76] {strides = array<i32>} : memref<632xf32, #tpu.memory_space<vmem>>, vector<16xf32>,
      %swap3A_78 = vector.shape_cast %swap3A_77 : vector<16xf32> to vector<16xf32>
      %swap3A_79 = vector.shape_cast %broadcast_in_dim3A_3 : vector<16xf32> to vector<16xf32>
      tpu.vector_store %arg6[%swap3A_76], %swap3A_79 {strides = array<i32>} : memref<632xf32, #tpu.memory_space<vmem>>, vector<16xf32>,
    }
    %scan3A_39 = arith.constant 39 : i32
    %swap3A_40 = arith.constant 616 : index
    %swap3A_41 = tpu.vector_load %arg6[%swap3A_40] {strides = array<i32>} : memref<632xf32, #tpu.memory_space<vmem>>, vector<16xf32>,
    %swap3A_42 = vector.shape_cast %swap3A_41 : vector<16xf32> to vector<16xf32>
    %swap3A_43 = vector.shape_cast %broadcast_in_dim3A_3 : vector<16xf32> to vector<16xf32>
    tpu.vector_store %arg6[%swap3A_40], %swap3A_43 {strides = array<i32>} : memref<632xf32, #tpu.memory_space<vmem>>, vector<16xf32>,
    %mul3A_44 = arith.constant 632 : i32
    %mul3A_45 = arith.muli %arg1, %mul3A_44 : i32
    "tpu.region"() ({
      %run_scoped3A = tpu.sem_alloc : memref<!tpu.dma_semaphore, #tpu.memory_space<semaphore_mem>>
      %dma_start3A_73 = tpu.memref_slice %arg7[%mul3A_45] : memref<10112xf32, #tpu.memory_space<vmem_shared>> -> memref<632xf32, #tpu.memory_space<vmem_shared>>
      %dma_start3A_74 = tpu.memref_slice %arg7[%mul3A_45] : memref<10112xf32, #tpu.memory_space<vmem_shared>> -> memref<632xf32, #tpu.memory_space<vmem_shared>>
      tpu.enqueue_dma source(%arg6 : memref<632xf32, #tpu.memory_space<vmem>>) target(%dma_start3A_74 : memref<632xf32, #tpu.memory_space<vmem_shared>>) target_semaphore(%run_scoped3A : memref<!tpu.dma_semaphore, #tpu.memory_space<semaphore_mem>>)
      %dma_wait3A_75 = tpu.memref_slice %arg7[%mul3A_45] : memref<10112xf32, #tpu.memory_space<vmem_shared>> -> memref<632xf32, #tpu.memory_space<vmem_shared>>
      %dma_wait3A_76 = tpu.memref_slice %arg7[%mul3A_45] : memref<10112xf32, #tpu.memory_space<vmem_shared>> -> memref<632xf32, #tpu.memory_space<vmem_shared>>
      tpu.wait_dma2 semaphore(%run_scoped3A : memref<!tpu.dma_semaphore, #tpu.memory_space<semaphore_mem>>) src(%arg6 : memref<632xf32, #tpu.memory_space<vmem>>) dst(%dma_wait3A_76 : memref<632xf32, #tpu.memory_space<vmem_shared>>)
      tpu.yield
    }) : () -> ()
    %barrier3A = arith.constant 0 : index
    tpu.barrier barrier_id(%barrier3A)
    %dma_start3A = arith.constant 0 : i32
    %dma_start3A_46 = arith.constant 0 : i32
    %dma_start3A_47 = arith.constant 0 : i32
    %dma_start3A_48 = tpu.memref_slice %arg4[%dma_start3A, %dma_start3A_47] : memref<80x128xi32, #tpu.memory_space<vmem>> -> memref<1x128xi32, #tpu.memory_space<vmem>>
    %dma_start3A_49 = tpu.memref_squeeze %dma_start3A_48 : memref<1x128xi32, #tpu.memory_space<vmem>> -> memref<128xi32, #tpu.memory_space<vmem>>
    %dma_start3A_50 = arith.constant 0 : i32
    %dma_start3A_51 = tpu.memref_slice %arg7[%dma_start3A_50] : memref<10112xf32, #tpu.memory_space<vmem_shared>> -> memref<10112xf32, #tpu.memory_space<vmem_shared>>
    %dma_start3A_52 = tpu.memref_slice %arg8[%dma_start3A_46] : memref<2x!tpu.dma_semaphore, #tpu.memory_space<semaphore_mem>> -> memref<1x!tpu.dma_semaphore, #tpu.memory_space<semaphore_mem>>
    %dma_start3A_53 = tpu.memref_squeeze %dma_start3A_52 : memref<1x!tpu.dma_semaphore, #tpu.memory_space<semaphore_mem>> -> memref<!tpu.dma_semaphore, #tpu.memory_space<semaphore_mem>>
    tpu.enqueue_indirect_dma source(%arg5 : memref<128xf32, #tpu.memory_space<vmem>>) target(%dma_start3A_51 : memref<10112xf32, #tpu.memory_space<vmem_shared>>) offsets(%dma_start3A_49 : memref<128xi32, #tpu.memory_space<vmem>>) semaphore(%dma_start3A_53 : memref<!tpu.dma_semaphore, #tpu.memory_space<semaphore_mem>>) {add = true}
    %scan3A_54 = arith.constant 0 : i32
    %scan3A_55 = arith.constant 1 : i32
    %scan3A_56 = arith.constant 78 : i32
    %scan3A_57 = arith.addi %scan3A_55, %scan3A_56 : i32
    %scan3A_58 = arith.constant 1 : i32
    scf.for %scan3A_73 = %scan3A_55 to %scan3A_57 step %scan3A_58  : i32 {
      %rem3A = arith.constant 2 : i32
      %rem3A_74 = arith.remsi %scan3A_73, %rem3A : i32
      %dma_start3A_75 = arith.constant 0 : i32
      %dma_start3A_76 = tpu.memref_slice %arg4[%scan3A_73, %dma_start3A_75] : memref<80x128xi32, #tpu.memory_space<vmem>> -> memref<1x128xi32, #tpu.memory_space<vmem>>
      %dma_start3A_77 = tpu.memref_squeeze %dma_start3A_76 : memref<1x128xi32, #tpu.memory_space<vmem>> -> memref<128xi32, #tpu.memory_space<vmem>>
      %dma_start3A_78 = arith.constant 0 : i32
      %dma_start3A_79 = tpu.memref_slice %arg7[%dma_start3A_78] : memref<10112xf32, #tpu.memory_space<vmem_shared>> -> memref<10112xf32, #tpu.memory_space<vmem_shared>>
      %dma_start3A_80 = tpu.memref_slice %arg8[%rem3A_74] : memref<2x!tpu.dma_semaphore, #tpu.memory_space<semaphore_mem>> -> memref<1x!tpu.dma_semaphore, #tpu.memory_space<semaphore_mem>>
      %dma_start3A_81 = tpu.memref_squeeze %dma_start3A_80 : memref<1x!tpu.dma_semaphore, #tpu.memory_space<semaphore_mem>> -> memref<!tpu.dma_semaphore, #tpu.memory_space<semaphore_mem>>
      tpu.enqueue_indirect_dma source(%arg5 : memref<128xf32, #tpu.memory_space<vmem>>) target(%dma_start3A_79 : memref<10112xf32, #tpu.memory_space<vmem_shared>>) offsets(%dma_start3A_77 : memref<128xi32, #tpu.memory_space<vmem>>) semaphore(%dma_start3A_81 : memref<!tpu.dma_semaphore, #tpu.memory_space<semaphore_mem>>) {add = true}
      %sub3A = arith.constant 1 : i32
      %sub3A_82 = arith.subi %scan3A_73, %sub3A : i32
      %sub3A_83 = arith.constant 1 : i32
      %sub3A_84 = arith.subi %sub3A_83, %rem3A_74 : i32
      %dma_wait3A_85 = arith.constant 0 : i32
      %dma_wait3A_86 = tpu.memref_slice %arg4[%sub3A_82, %dma_wait3A_85] : memref<80x128xi32, #tpu.memory_space<vmem>> -> memref<1x128xi32, #tpu.memory_space<vmem>>
      %dma_wait3A_87 = tpu.memref_squeeze %dma_wait3A_86 : memref<1x128xi32, #tpu.memory_space<vmem>> -> memref<128xi32, #tpu.memory_space<vmem>>
      %dma_wait3A_88 = arith.constant 0 : i32
      %dma_wait3A_89 = tpu.memref_slice %arg7[%dma_wait3A_88] : memref<10112xf32, #tpu.memory_space<vmem_shared>> -> memref<10112xf32, #tpu.memory_space<vmem_shared>>
      %dma_wait3A_90 = tpu.memref_slice %arg8[%sub3A_84] : memref<2x!tpu.dma_semaphore, #tpu.memory_space<semaphore_mem>> -> memref<1x!tpu.dma_semaphore, #tpu.memory_space<semaphore_mem>>
      %dma_wait3A_91 = tpu.memref_squeeze %dma_wait3A_90 : memref<1x!tpu.dma_semaphore, #tpu.memory_space<semaphore_mem>> -> memref<!tpu.dma_semaphore, #tpu.memory_space<semaphore_mem>>
      tpu.wait_indirect_dma semaphore(%dma_wait3A_91 : memref<!tpu.dma_semaphore, #tpu.memory_space<semaphore_mem>>) src(%arg5 : memref<128xf32, #tpu.memory_space<vmem>>) dst(%dma_wait3A_89 : memref<10112xf32, #tpu.memory_space<vmem_shared>>)
    }
    %scan3A_59 = arith.constant 78 : i32
    %dma_wait3A = arith.constant 78 : i32
    %dma_wait3A_60 = arith.constant 0 : i32
    %dma_wait3A_61 = arith.constant 0 : i32
    %dma_wait3A_62 = tpu.memref_slice %arg4[%dma_wait3A, %dma_wait3A_61] : memref<80x128xi32, #tpu.memory_space<vmem>> -> memref<1x128xi32, #tpu.memory_space<vmem>>
    %dma_wait3A_63 = tpu.memref_squeeze %dma_wait3A_62 : memref<1x128xi32, #tpu.memory_space<vmem>> -> memref<128xi32, #tpu.memory_space<vmem>>
    %dma_wait3A_64 = arith.constant 0 : i32
    %dma_wait3A_65 = tpu.memref_slice %arg7[%dma_wait3A_64] : memref<10112xf32, #tpu.memory_space<vmem_shared>> -> memref<10112xf32, #tpu.memory_space<vmem_shared>>
    %dma_wait3A_66 = tpu.memref_slice %arg8[%dma_wait3A_60] : memref<2x!tpu.dma_semaphore, #tpu.memory_space<semaphore_mem>> -> memref<1x!tpu.dma_semaphore, #tpu.memory_space<semaphore_mem>>
    %dma_wait3A_67 = tpu.memref_squeeze %dma_wait3A_66 : memref<1x!tpu.dma_semaphore, #tpu.memory_space<semaphore_mem>> -> memref<!tpu.dma_semaphore, #tpu.memory_space<semaphore_mem>>
    tpu.wait_indirect_dma semaphore(%dma_wait3A_67 : memref<!tpu.dma_semaphore, #tpu.memory_space<semaphore_mem>>) src(%arg5 : memref<128xf32, #tpu.memory_space<vmem>>) dst(%dma_wait3A_65 : memref<10112xf32, #tpu.memory_space<vmem_shared>>)
    %barrier3A_68 = arith.constant 0 : index
    tpu.barrier barrier_id(%barrier3A_68)
    %mul3A_69 = arith.constant 632 : i32
    %mul3A_70 = arith.muli %arg1, %mul3A_69 : i32
    %mul3A_71 = arith.constant 632 : i32
    %mul3A_72 = arith.muli %arg1, %mul3A_71 : i32
    "tpu.region"() ({
      %run_scoped3A = tpu.sem_alloc : memref<!tpu.dma_semaphore, #tpu.memory_space<semaphore_mem>>
      %dma_start3A_73 = tpu.memref_slice %arg3[%arg0, %mul3A_72] : memref<2x10112xf32, #tpu.memory_space<hbm>> -> memref<1x632xf32, #tpu.memory_space<hbm>>
      %dma_start3A_74 = tpu.memref_squeeze %dma_start3A_73 : memref<1x632xf32, #tpu.memory_space<hbm>> -> memref<632xf32, #tpu.memory_space<hbm>>
      %dma_start3A_75 = tpu.memref_slice %arg7[%mul3A_70] : memref<10112xf32, #tpu.memory_space<vmem_shared>> -> memref<632xf32, #tpu.memory_space<vmem_shared>>
      tpu.enqueue_dma source(%dma_start3A_75 : memref<632xf32, #tpu.memory_space<vmem_shared>>) target(%dma_start3A_74 : memref<632xf32, #tpu.memory_space<hbm>>) target_semaphore(%run_scoped3A : memref<!tpu.dma_semaphore, #tpu.memory_space<semaphore_mem>>)
      %dma_wait3A_76 = tpu.memref_slice %arg3[%arg0, %mul3A_72] : memref<2x10112xf32, #tpu.memory_space<hbm>> -> memref<1x632xf32, #tpu.memory_space<hbm>>
      %dma_wait3A_77 = tpu.memref_squeeze %dma_wait3A_76 : memref<1x632xf32, #tpu.memory_space<hbm>> -> memref<632xf32, #tpu.memory_space<hbm>>
      %dma_wait3A_78 = tpu.memref_slice %arg7[%mul3A_70] : memref<10112xf32, #tpu.memory_space<vmem_shared>> -> memref<632xf32, #tpu.memory_space<vmem_shared>>
      tpu.wait_dma2 semaphore(%run_scoped3A : memref<!tpu.dma_semaphore, #tpu.memory_space<semaphore_mem>>) src(%dma_wait3A_78 : memref<632xf32, #tpu.memory_space<vmem_shared>>) dst(%dma_wait3A_77 : memref<632xf32, #tpu.memory_space<hbm>>)
      tpu.yield
    }) : () -> ()
    return
  }
}

#map = affine_map<(d0, d1) -> (0, 0, 0)>
#map1 = affine_map<(d0, d1) -> (0, 0)>
module attributes {stable_mosaic.version = 14 : i64} {
  func.func @_agg_body(%arg0: i32, %arg1: i32, %arg2: memref<32x80x128xi32, #tpu.memory_space<hbm>>, %arg3: memref<32x80x128xi32, #tpu.memory_space<hbm>>, %arg4: memref<10112x16xf32, #tpu.memory_space<hbm>>, %arg5: memref<2x10112x16xf32, #tpu.memory_space<hbm>>, %arg6: memref<80x128xi32, #tpu.memory_space<vmem>>, %arg7: memref<80x128xi32, #tpu.memory_space<vmem>>, %arg8: memref<2x128x16xf32, #tpu.memory_space<vmem>>, %arg9: memref<632x16xf32, #tpu.memory_space<vmem>>, %arg10: memref<10112x16xf32, #tpu.memory_space<vmem_shared>>, %arg11: memref<10112x16xf32, #tpu.memory_space<vmem_shared>>, %arg12: memref<2x!tpu.dma_semaphore, #tpu.memory_space<semaphore_mem>>, %arg13: memref<2x!tpu.dma_semaphore, #tpu.memory_space<semaphore_mem>>) attributes {dimension_semantics = [#tpu.dimension_semantics<core_parallel>, #tpu.dimension_semantics<subcore_parallel>], iteration_bounds = array<i64: 2, 16>, scalar_prefetch = 0 : i64, scratch_operands = 8 : i64, tpu.core_type = #tpu.core_type<sc_vector_subcore>, window_params = [{transform_indices = #map}, {transform_indices = #map}, {transform_indices = #map1}, {transform_indices = #map}]} {
    %mul3A = arith.constant 2 : i32
    %mul3A_0 = arith.muli %arg1, %mul3A : i32
    %add3A = arith.addi %mul3A_0, %arg0 : i32
    "tpu.region"() ({
      %run_scoped3A = tpu.sem_alloc : memref<!tpu.dma_semaphore, #tpu.memory_space<semaphore_mem>>
      %dma_start3A_112 = arith.constant 0 : i32
      %dma_start3A_113 = arith.constant 0 : i32
      %dma_start3A_114 = tpu.memref_slice %arg2[%add3A, %dma_start3A_112, %dma_start3A_113] : memref<32x80x128xi32, #tpu.memory_space<hbm>> -> memref<1x80x128xi32, #tpu.memory_space<hbm>>
      %dma_start3A_115 = tpu.memref_squeeze %dma_start3A_114 : memref<1x80x128xi32, #tpu.memory_space<hbm>> -> memref<80x128xi32, #tpu.memory_space<hbm>>
      %dma_start3A_116 = arith.constant 0 : i32
      %dma_start3A_117 = arith.constant 0 : i32
      %dma_start3A_118 = tpu.memref_slice %arg2[%add3A, %dma_start3A_116, %dma_start3A_117] : memref<32x80x128xi32, #tpu.memory_space<hbm>> -> memref<1x80x128xi32, #tpu.memory_space<hbm>>
      %dma_start3A_119 = tpu.memref_squeeze %dma_start3A_118 : memref<1x80x128xi32, #tpu.memory_space<hbm>> -> memref<80x128xi32, #tpu.memory_space<hbm>>
      tpu.enqueue_dma source(%dma_start3A_119 : memref<80x128xi32, #tpu.memory_space<hbm>>) target(%arg6 : memref<80x128xi32, #tpu.memory_space<vmem>>) target_semaphore(%run_scoped3A : memref<!tpu.dma_semaphore, #tpu.memory_space<semaphore_mem>>)
      %dma_wait3A_120 = arith.constant 0 : i32
      %dma_wait3A_121 = arith.constant 0 : i32
      %dma_wait3A_122 = tpu.memref_slice %arg2[%add3A, %dma_wait3A_120, %dma_wait3A_121] : memref<32x80x128xi32, #tpu.memory_space<hbm>> -> memref<1x80x128xi32, #tpu.memory_space<hbm>>
      %dma_wait3A_123 = tpu.memref_squeeze %dma_wait3A_122 : memref<1x80x128xi32, #tpu.memory_space<hbm>> -> memref<80x128xi32, #tpu.memory_space<hbm>>
      %dma_wait3A_124 = arith.constant 0 : i32
      %dma_wait3A_125 = arith.constant 0 : i32
      %dma_wait3A_126 = tpu.memref_slice %arg2[%add3A, %dma_wait3A_124, %dma_wait3A_125] : memref<32x80x128xi32, #tpu.memory_space<hbm>> -> memref<1x80x128xi32, #tpu.memory_space<hbm>>
      %dma_wait3A_127 = tpu.memref_squeeze %dma_wait3A_126 : memref<1x80x128xi32, #tpu.memory_space<hbm>> -> memref<80x128xi32, #tpu.memory_space<hbm>>
      tpu.wait_dma2 semaphore(%run_scoped3A : memref<!tpu.dma_semaphore, #tpu.memory_space<semaphore_mem>>) src(%dma_wait3A_127 : memref<80x128xi32, #tpu.memory_space<hbm>>) dst(%arg6 : memref<80x128xi32, #tpu.memory_space<vmem>>)
      tpu.yield
    }) : () -> ()
    "tpu.region"() ({
      %run_scoped3A = tpu.sem_alloc : memref<!tpu.dma_semaphore, #tpu.memory_space<semaphore_mem>>
      %dma_start3A_112 = arith.constant 0 : i32
      %dma_start3A_113 = arith.constant 0 : i32
      %dma_start3A_114 = tpu.memref_slice %arg3[%add3A, %dma_start3A_112, %dma_start3A_113] : memref<32x80x128xi32, #tpu.memory_space<hbm>> -> memref<1x80x128xi32, #tpu.memory_space<hbm>>
      %dma_start3A_115 = tpu.memref_squeeze %dma_start3A_114 : memref<1x80x128xi32, #tpu.memory_space<hbm>> -> memref<80x128xi32, #tpu.memory_space<hbm>>
      %dma_start3A_116 = arith.constant 0 : i32
      %dma_start3A_117 = arith.constant 0 : i32
      %dma_start3A_118 = tpu.memref_slice %arg3[%add3A, %dma_start3A_116, %dma_start3A_117] : memref<32x80x128xi32, #tpu.memory_space<hbm>> -> memref<1x80x128xi32, #tpu.memory_space<hbm>>
      %dma_start3A_119 = tpu.memref_squeeze %dma_start3A_118 : memref<1x80x128xi32, #tpu.memory_space<hbm>> -> memref<80x128xi32, #tpu.memory_space<hbm>>
      tpu.enqueue_dma source(%dma_start3A_119 : memref<80x128xi32, #tpu.memory_space<hbm>>) target(%arg7 : memref<80x128xi32, #tpu.memory_space<vmem>>) target_semaphore(%run_scoped3A : memref<!tpu.dma_semaphore, #tpu.memory_space<semaphore_mem>>)
      %dma_wait3A_120 = arith.constant 0 : i32
      %dma_wait3A_121 = arith.constant 0 : i32
      %dma_wait3A_122 = tpu.memref_slice %arg3[%add3A, %dma_wait3A_120, %dma_wait3A_121] : memref<32x80x128xi32, #tpu.memory_space<hbm>> -> memref<1x80x128xi32, #tpu.memory_space<hbm>>
      %dma_wait3A_123 = tpu.memref_squeeze %dma_wait3A_122 : memref<1x80x128xi32, #tpu.memory_space<hbm>> -> memref<80x128xi32, #tpu.memory_space<hbm>>
      %dma_wait3A_124 = arith.constant 0 : i32
      %dma_wait3A_125 = arith.constant 0 : i32
      %dma_wait3A_126 = tpu.memref_slice %arg3[%add3A, %dma_wait3A_124, %dma_wait3A_125] : memref<32x80x128xi32, #tpu.memory_space<hbm>> -> memref<1x80x128xi32, #tpu.memory_space<hbm>>
      %dma_wait3A_127 = tpu.memref_squeeze %dma_wait3A_126 : memref<1x80x128xi32, #tpu.memory_space<hbm>> -> memref<80x128xi32, #tpu.memory_space<hbm>>
      tpu.wait_dma2 semaphore(%run_scoped3A : memref<!tpu.dma_semaphore, #tpu.memory_space<semaphore_mem>>) src(%dma_wait3A_127 : memref<80x128xi32, #tpu.memory_space<hbm>>) dst(%arg7 : memref<80x128xi32, #tpu.memory_space<vmem>>)
      tpu.yield
    }) : () -> ()
    %mul3A_1 = arith.constant 632 : i32
    %mul3A_2 = arith.muli %arg1, %mul3A_1 : i32
    %mul3A_3 = arith.constant 632 : i32
    %mul3A_4 = arith.muli %arg1, %mul3A_3 : i32
    "tpu.region"() ({
      %run_scoped3A = tpu.sem_alloc : memref<!tpu.dma_semaphore, #tpu.memory_space<semaphore_mem>>
      %dma_start3A_112 = arith.constant 0 : i32
      %dma_start3A_113 = tpu.memref_slice %arg10[%mul3A_4, %dma_start3A_112] : memref<10112x16xf32, #tpu.memory_space<vmem_shared>> -> memref<632x16xf32, #tpu.memory_space<vmem_shared>>
      %dma_start3A_114 = arith.constant 0 : i32
      %dma_start3A_115 = tpu.memref_slice %arg4[%mul3A_2, %dma_start3A_114] : memref<10112x16xf32, #tpu.memory_space<hbm>> -> memref<632x16xf32, #tpu.memory_space<hbm>>
      tpu.enqueue_dma source(%dma_start3A_115 : memref<632x16xf32, #tpu.memory_space<hbm>>) target(%dma_start3A_113 : memref<632x16xf32, #tpu.memory_space<vmem_shared>>) target_semaphore(%run_scoped3A : memref<!tpu.dma_semaphore, #tpu.memory_space<semaphore_mem>>)
      %dma_wait3A_116 = arith.constant 0 : i32
      %dma_wait3A_117 = tpu.memref_slice %arg10[%mul3A_4, %dma_wait3A_116] : memref<10112x16xf32, #tpu.memory_space<vmem_shared>> -> memref<632x16xf32, #tpu.memory_space<vmem_shared>>
      %dma_wait3A_118 = arith.constant 0 : i32
      %dma_wait3A_119 = tpu.memref_slice %arg4[%mul3A_2, %dma_wait3A_118] : memref<10112x16xf32, #tpu.memory_space<hbm>> -> memref<632x16xf32, #tpu.memory_space<hbm>>
      tpu.wait_dma2 semaphore(%run_scoped3A : memref<!tpu.dma_semaphore, #tpu.memory_space<semaphore_mem>>) src(%dma_wait3A_119 : memref<632x16xf32, #tpu.memory_space<hbm>>) dst(%dma_wait3A_117 : memref<632x16xf32, #tpu.memory_space<vmem_shared>>)
      tpu.yield
    }) : () -> ()
    %broadcast_in_dim3A = arith.constant 0.000000e+00 : f32
    %broadcast_in_dim3A_5 = vector.broadcast %broadcast_in_dim3A : f32 to vector<16xf32>
    %scan3A = arith.constant 0 : i32
    %scan3A_6 = arith.constant 0 : i32
    %scan3A_7 = arith.constant 632 : i32
    %scan3A_8 = arith.addi %scan3A_6, %scan3A_7 : i32
    %scan3A_9 = arith.constant 1 : i32
    scf.for %scan3A_112 = %scan3A_6 to %scan3A_8 step %scan3A_9  : i32 {
      %swap3A = arith.index_cast %scan3A_112 : i32 to index
      %swap3A_113 = arith.constant 0 : index
      %swap3A_114 = tpu.vector_load %arg9[%swap3A, %swap3A_113] {strides = array<i32>} : memref<632x16xf32, #tpu.memory_space<vmem>>, vector<1x16xf32>,
      %swap3A_115 = vector.shape_cast %swap3A_114 : vector<1x16xf32> to vector<16xf32>
      %swap3A_116 = vector.shape_cast %broadcast_in_dim3A_5 : vector<16xf32> to vector<1x16xf32>
      tpu.vector_store %arg9[%swap3A, %swap3A_113], %swap3A_116 {strides = array<i32>} : memref<632x16xf32, #tpu.memory_space<vmem>>, vector<1x16xf32>,
    }
    %scan3A_10 = arith.constant 632 : i32
    %mul3A_11 = arith.constant 632 : i32
    %mul3A_12 = arith.muli %arg1, %mul3A_11 : i32
    "tpu.region"() ({
      %run_scoped3A = tpu.sem_alloc : memref<!tpu.dma_semaphore, #tpu.memory_space<semaphore_mem>>
      %dma_start3A_112 = arith.constant 0 : i32
      %dma_start3A_113 = tpu.memref_slice %arg11[%mul3A_12, %dma_start3A_112] : memref<10112x16xf32, #tpu.memory_space<vmem_shared>> -> memref<632x16xf32, #tpu.memory_space<vmem_shared>>
      %dma_start3A_114 = arith.constant 0 : i32
      %dma_start3A_115 = tpu.memref_slice %arg11[%mul3A_12, %dma_start3A_114] : memref<10112x16xf32, #tpu.memory_space<vmem_shared>> -> memref<632x16xf32, #tpu.memory_space<vmem_shared>>
      tpu.enqueue_dma source(%arg9 : memref<632x16xf32, #tpu.memory_space<vmem>>) target(%dma_start3A_115 : memref<632x16xf32, #tpu.memory_space<vmem_shared>>) target_semaphore(%run_scoped3A : memref<!tpu.dma_semaphore, #tpu.memory_space<semaphore_mem>>)
      %dma_wait3A_116 = arith.constant 0 : i32
      %dma_wait3A_117 = tpu.memref_slice %arg11[%mul3A_12, %dma_wait3A_116] : memref<10112x16xf32, #tpu.memory_space<vmem_shared>> -> memref<632x16xf32, #tpu.memory_space<vmem_shared>>
      %dma_wait3A_118 = arith.constant 0 : i32
      %dma_wait3A_119 = tpu.memref_slice %arg11[%mul3A_12, %dma_wait3A_118] : memref<10112x16xf32, #tpu.memory_space<vmem_shared>> -> memref<632x16xf32, #tpu.memory_space<vmem_shared>>
      tpu.wait_dma2 semaphore(%run_scoped3A : memref<!tpu.dma_semaphore, #tpu.memory_space<semaphore_mem>>) src(%arg9 : memref<632x16xf32, #tpu.memory_space<vmem>>) dst(%dma_wait3A_119 : memref<632x16xf32, #tpu.memory_space<vmem_shared>>)
      tpu.yield
    }) : () -> ()
    %barrier3A = arith.constant 0 : index
    tpu.barrier barrier_id(%barrier3A)
    %dma_start3A = arith.constant 0 : i32
    %dma_start3A_13 = arith.constant 0 : i32
    %dma_start3A_14 = arith.constant 0 : i32
    %dma_start3A_15 = arith.constant 0 : i32
    %dma_start3A_16 = arith.constant 0 : i32
    %dma_start3A_17 = tpu.memref_slice %arg8[%dma_start3A_13, %dma_start3A_15, %dma_start3A_16] : memref<2x128x16xf32, #tpu.memory_space<vmem>> -> memref<1x128x16xf32, #tpu.memory_space<vmem>>
    %dma_start3A_18 = tpu.memref_squeeze %dma_start3A_17 : memref<1x128x16xf32, #tpu.memory_space<vmem>> -> memref<128x16xf32, #tpu.memory_space<vmem>>
    %dma_start3A_19 = arith.constant 0 : i32
    %dma_start3A_20 = tpu.memref_slice %arg6[%dma_start3A, %dma_start3A_19] : memref<80x128xi32, #tpu.memory_space<vmem>> -> memref<1x128xi32, #tpu.memory_space<vmem>>
    %dma_start3A_21 = tpu.memref_squeeze %dma_start3A_20 : memref<1x128xi32, #tpu.memory_space<vmem>> -> memref<128xi32, #tpu.memory_space<vmem>>
    %dma_start3A_22 = arith.constant 0 : i32
    %dma_start3A_23 = arith.constant 0 : i32
    %dma_start3A_24 = tpu.memref_slice %arg10[%dma_start3A_22, %dma_start3A_23] : memref<10112x16xf32, #tpu.memory_space<vmem_shared>> -> memref<10112x16xf32, #tpu.memory_space<vmem_shared>>
    %dma_start3A_25 = tpu.memref_slice %arg12[%dma_start3A_14] : memref<2x!tpu.dma_semaphore, #tpu.memory_space<semaphore_mem>> -> memref<1x!tpu.dma_semaphore, #tpu.memory_space<semaphore_mem>>
    %dma_start3A_26 = tpu.memref_squeeze %dma_start3A_25 : memref<1x!tpu.dma_semaphore, #tpu.memory_space<semaphore_mem>> -> memref<!tpu.dma_semaphore, #tpu.memory_space<semaphore_mem>>
    tpu.enqueue_indirect_dma source(%dma_start3A_24 : memref<10112x16xf32, #tpu.memory_space<vmem_shared>>) target(%dma_start3A_18 : memref<128x16xf32, #tpu.memory_space<vmem>>) offsets(%dma_start3A_21 : memref<128xi32, #tpu.memory_space<vmem>>) semaphore(%dma_start3A_26 : memref<!tpu.dma_semaphore, #tpu.memory_space<semaphore_mem>>)
    %dma_start3A_27 = arith.constant 1 : i32
    %dma_start3A_28 = arith.constant 1 : i32
    %dma_start3A_29 = arith.constant 1 : i32
    %dma_start3A_30 = arith.constant 0 : i32
    %dma_start3A_31 = arith.constant 0 : i32
    %dma_start3A_32 = tpu.memref_slice %arg8[%dma_start3A_28, %dma_start3A_30, %dma_start3A_31] : memref<2x128x16xf32, #tpu.memory_space<vmem>> -> memref<1x128x16xf32, #tpu.memory_space<vmem>>
    %dma_start3A_33 = tpu.memref_squeeze %dma_start3A_32 : memref<1x128x16xf32, #tpu.memory_space<vmem>> -> memref<128x16xf32, #tpu.memory_space<vmem>>
    %dma_start3A_34 = arith.constant 0 : i32
    %dma_start3A_35 = tpu.memref_slice %arg6[%dma_start3A_27, %dma_start3A_34] : memref<80x128xi32, #tpu.memory_space<vmem>> -> memref<1x128xi32, #tpu.memory_space<vmem>>
    %dma_start3A_36 = tpu.memref_squeeze %dma_start3A_35 : memref<1x128xi32, #tpu.memory_space<vmem>> -> memref<128xi32, #tpu.memory_space<vmem>>
    %dma_start3A_37 = arith.constant 0 : i32
    %dma_start3A_38 = arith.constant 0 : i32
    %dma_start3A_39 = tpu.memref_slice %arg10[%dma_start3A_37, %dma_start3A_38] : memref<10112x16xf32, #tpu.memory_space<vmem_shared>> -> memref<10112x16xf32, #tpu.memory_space<vmem_shared>>
    %dma_start3A_40 = tpu.memref_slice %arg12[%dma_start3A_29] : memref<2x!tpu.dma_semaphore, #tpu.memory_space<semaphore_mem>> -> memref<1x!tpu.dma_semaphore, #tpu.memory_space<semaphore_mem>>
    %dma_start3A_41 = tpu.memref_squeeze %dma_start3A_40 : memref<1x!tpu.dma_semaphore, #tpu.memory_space<semaphore_mem>> -> memref<!tpu.dma_semaphore, #tpu.memory_space<semaphore_mem>>
    tpu.enqueue_indirect_dma source(%dma_start3A_39 : memref<10112x16xf32, #tpu.memory_space<vmem_shared>>) target(%dma_start3A_33 : memref<128x16xf32, #tpu.memory_space<vmem>>) offsets(%dma_start3A_36 : memref<128xi32, #tpu.memory_space<vmem>>) semaphore(%dma_start3A_41 : memref<!tpu.dma_semaphore, #tpu.memory_space<semaphore_mem>>)
    %dma_wait3A = arith.constant 0 : i32
    %dma_wait3A_42 = arith.constant 0 : i32
    %dma_wait3A_43 = arith.constant 0 : i32
    %dma_wait3A_44 = arith.constant 0 : i32
    %dma_wait3A_45 = arith.constant 0 : i32
    %dma_wait3A_46 = tpu.memref_slice %arg8[%dma_wait3A_42, %dma_wait3A_44, %dma_wait3A_45] : memref<2x128x16xf32, #tpu.memory_space<vmem>> -> memref<1x128x16xf32, #tpu.memory_space<vmem>>
    %dma_wait3A_47 = tpu.memref_squeeze %dma_wait3A_46 : memref<1x128x16xf32, #tpu.memory_space<vmem>> -> memref<128x16xf32, #tpu.memory_space<vmem>>
    %dma_wait3A_48 = arith.constant 0 : i32
    %dma_wait3A_49 = tpu.memref_slice %arg6[%dma_wait3A, %dma_wait3A_48] : memref<80x128xi32, #tpu.memory_space<vmem>> -> memref<1x128xi32, #tpu.memory_space<vmem>>
    %dma_wait3A_50 = tpu.memref_squeeze %dma_wait3A_49 : memref<1x128xi32, #tpu.memory_space<vmem>> -> memref<128xi32, #tpu.memory_space<vmem>>
    %dma_wait3A_51 = arith.constant 0 : i32
    %dma_wait3A_52 = arith.constant 0 : i32
    %dma_wait3A_53 = tpu.memref_slice %arg10[%dma_wait3A_51, %dma_wait3A_52] : memref<10112x16xf32, #tpu.memory_space<vmem_shared>> -> memref<10112x16xf32, #tpu.memory_space<vmem_shared>>
    %dma_wait3A_54 = tpu.memref_slice %arg12[%dma_wait3A_43] : memref<2x!tpu.dma_semaphore, #tpu.memory_space<semaphore_mem>> -> memref<1x!tpu.dma_semaphore, #tpu.memory_space<semaphore_mem>>
    %dma_wait3A_55 = tpu.memref_squeeze %dma_wait3A_54 : memref<1x!tpu.dma_semaphore, #tpu.memory_space<semaphore_mem>> -> memref<!tpu.dma_semaphore, #tpu.memory_space<semaphore_mem>>
    tpu.wait_indirect_dma semaphore(%dma_wait3A_55 : memref<!tpu.dma_semaphore, #tpu.memory_space<semaphore_mem>>) src(%dma_wait3A_53 : memref<10112x16xf32, #tpu.memory_space<vmem_shared>>) dst(%dma_wait3A_47 : memref<128x16xf32, #tpu.memory_space<vmem>>)
    %dma_start3A_56 = arith.constant 0 : i32
    %dma_start3A_57 = arith.constant 0 : i32
    %dma_start3A_58 = arith.constant 0 : i32
    %dma_start3A_59 = arith.constant 0 : i32
    %dma_start3A_60 = arith.constant 0 : i32
    %dma_start3A_61 = tpu.memref_slice %arg8[%dma_start3A_56, %dma_start3A_59, %dma_start3A_60] : memref<2x128x16xf32, #tpu.memory_space<vmem>> -> memref<1x128x16xf32, #tpu.memory_space<vmem>>
    %dma_start3A_62 = tpu.memref_squeeze %dma_start3A_61 : memref<1x128x16xf32, #tpu.memory_space<vmem>> -> memref<128x16xf32, #tpu.memory_space<vmem>>
    %dma_start3A_63 = arith.constant 0 : i32
    %dma_start3A_64 = tpu.memref_slice %arg7[%dma_start3A_57, %dma_start3A_63] : memref<80x128xi32, #tpu.memory_space<vmem>> -> memref<1x128xi32, #tpu.memory_space<vmem>>
    %dma_start3A_65 = tpu.memref_squeeze %dma_start3A_64 : memref<1x128xi32, #tpu.memory_space<vmem>> -> memref<128xi32, #tpu.memory_space<vmem>>
    %dma_start3A_66 = arith.constant 0 : i32
    %dma_start3A_67 = arith.constant 0 : i32
    %dma_start3A_68 = tpu.memref_slice %arg11[%dma_start3A_66, %dma_start3A_67] : memref<10112x16xf32, #tpu.memory_space<vmem_shared>> -> memref<10112x16xf32, #tpu.memory_space<vmem_shared>>
    %dma_start3A_69 = tpu.memref_slice %arg13[%dma_start3A_58] : memref<2x!tpu.dma_semaphore, #tpu.memory_space<semaphore_mem>> -> memref<1x!tpu.dma_semaphore, #tpu.memory_space<semaphore_mem>>
    %dma_start3A_70 = tpu.memref_squeeze %dma_start3A_69 : memref<1x!tpu.dma_semaphore, #tpu.memory_space<semaphore_mem>> -> memref<!tpu.dma_semaphore, #tpu.memory_space<semaphore_mem>>
    tpu.enqueue_indirect_dma source(%dma_start3A_62 : memref<128x16xf32, #tpu.memory_space<vmem>>) target(%dma_start3A_68 : memref<10112x16xf32, #tpu.memory_space<vmem_shared>>) offsets(%dma_start3A_65 : memref<128xi32, #tpu.memory_space<vmem>>) semaphore(%dma_start3A_70 : memref<!tpu.dma_semaphore, #tpu.memory_space<semaphore_mem>>) {add = true}
    %scan3A_71 = arith.constant 0 : i32
    %scan3A_72 = arith.constant 1 : i32
    %scan3A_73 = arith.constant 78 : i32
    %scan3A_74 = arith.addi %scan3A_72, %scan3A_73 : i32
    %scan3A_75 = arith.constant 1 : i32
    scf.for %scan3A_112 = %scan3A_72 to %scan3A_74 step %scan3A_75  : i32 {
      %rem3A = arith.constant 2 : i32
      %rem3A_113 = arith.remsi %scan3A_112, %rem3A : i32
      %sub3A = arith.constant 1 : i32
      %sub3A_114 = arith.subi %sub3A, %rem3A_113 : i32
      %sub3A_115 = arith.constant 1 : i32
      %sub3A_116 = arith.subi %scan3A_112, %sub3A_115 : i32
      %dma_wait3A_117 = arith.constant 0 : i32
      %dma_wait3A_118 = arith.constant 0 : i32
      %dma_wait3A_119 = tpu.memref_slice %arg8[%sub3A_114, %dma_wait3A_117, %dma_wait3A_118] : memref<2x128x16xf32, #tpu.memory_space<vmem>> -> memref<1x128x16xf32, #tpu.memory_space<vmem>>
      %dma_wait3A_120 = tpu.memref_squeeze %dma_wait3A_119 : memref<1x128x16xf32, #tpu.memory_space<vmem>> -> memref<128x16xf32, #tpu.memory_space<vmem>>
      %dma_wait3A_121 = arith.constant 0 : i32
      %dma_wait3A_122 = tpu.memref_slice %arg7[%sub3A_116, %dma_wait3A_121] : memref<80x128xi32, #tpu.memory_space<vmem>> -> memref<1x128xi32, #tpu.memory_space<vmem>>
      %dma_wait3A_123 = tpu.memref_squeeze %dma_wait3A_122 : memref<1x128xi32, #tpu.memory_space<vmem>> -> memref<128xi32, #tpu.memory_space<vmem>>
      %dma_wait3A_124 = arith.constant 0 : i32
      %dma_wait3A_125 = arith.constant 0 : i32
      %dma_wait3A_126 = tpu.memref_slice %arg11[%dma_wait3A_124, %dma_wait3A_125] : memref<10112x16xf32, #tpu.memory_space<vmem_shared>> -> memref<10112x16xf32, #tpu.memory_space<vmem_shared>>
      %dma_wait3A_127 = tpu.memref_slice %arg13[%sub3A_114] : memref<2x!tpu.dma_semaphore, #tpu.memory_space<semaphore_mem>> -> memref<1x!tpu.dma_semaphore, #tpu.memory_space<semaphore_mem>>
      %dma_wait3A_128 = tpu.memref_squeeze %dma_wait3A_127 : memref<1x!tpu.dma_semaphore, #tpu.memory_space<semaphore_mem>> -> memref<!tpu.dma_semaphore, #tpu.memory_space<semaphore_mem>>
      tpu.wait_indirect_dma semaphore(%dma_wait3A_128 : memref<!tpu.dma_semaphore, #tpu.memory_space<semaphore_mem>>) src(%dma_wait3A_120 : memref<128x16xf32, #tpu.memory_space<vmem>>) dst(%dma_wait3A_126 : memref<10112x16xf32, #tpu.memory_space<vmem_shared>>)
      %add3A_129 = arith.constant 1 : i32
      %add3A_130 = arith.addi %scan3A_112, %add3A_129 : i32
      %dma_start3A_131 = arith.constant 0 : i32
      %dma_start3A_132 = arith.constant 0 : i32
      %dma_start3A_133 = tpu.memref_slice %arg8[%sub3A_114, %dma_start3A_131, %dma_start3A_132] : memref<2x128x16xf32, #tpu.memory_space<vmem>> -> memref<1x128x16xf32, #tpu.memory_space<vmem>>
      %dma_start3A_134 = tpu.memref_squeeze %dma_start3A_133 : memref<1x128x16xf32, #tpu.memory_space<vmem>> -> memref<128x16xf32, #tpu.memory_space<vmem>>
      %dma_start3A_135 = arith.constant 0 : i32
      %dma_start3A_136 = tpu.memref_slice %arg6[%add3A_130, %dma_start3A_135] : memref<80x128xi32, #tpu.memory_space<vmem>> -> memref<1x128xi32, #tpu.memory_space<vmem>>
      %dma_start3A_137 = tpu.memref_squeeze %dma_start3A_136 : memref<1x128xi32, #tpu.memory_space<vmem>> -> memref<128xi32, #tpu.memory_space<vmem>>
      %dma_start3A_138 = arith.constant 0 : i32
      %dma_start3A_139 = arith.constant 0 : i32
      %dma_start3A_140 = tpu.memref_slice %arg10[%dma_start3A_138, %dma_start3A_139] : memref<10112x16xf32, #tpu.memory_space<vmem_shared>> -> memref<10112x16xf32, #tpu.memory_space<vmem_shared>>
      %dma_start3A_141 = tpu.memref_slice %arg12[%sub3A_114] : memref<2x!tpu.dma_semaphore, #tpu.memory_space<semaphore_mem>> -> memref<1x!tpu.dma_semaphore, #tpu.memory_space<semaphore_mem>>
      %dma_start3A_142 = tpu.memref_squeeze %dma_start3A_141 : memref<1x!tpu.dma_semaphore, #tpu.memory_space<semaphore_mem>> -> memref<!tpu.dma_semaphore, #tpu.memory_space<semaphore_mem>>
      tpu.enqueue_indirect_dma source(%dma_start3A_140 : memref<10112x16xf32, #tpu.memory_space<vmem_shared>>) target(%dma_start3A_134 : memref<128x16xf32, #tpu.memory_space<vmem>>) offsets(%dma_start3A_137 : memref<128xi32, #tpu.memory_space<vmem>>) semaphore(%dma_start3A_142 : memref<!tpu.dma_semaphore, #tpu.memory_space<semaphore_mem>>)
      %dma_wait3A_143 = arith.constant 0 : i32
      %dma_wait3A_144 = arith.constant 0 : i32
      %dma_wait3A_145 = tpu.memref_slice %arg8[%rem3A_113, %dma_wait3A_143, %dma_wait3A_144] : memref<2x128x16xf32, #tpu.memory_space<vmem>> -> memref<1x128x16xf32, #tpu.memory_space<vmem>>
      %dma_wait3A_146 = tpu.memref_squeeze %dma_wait3A_145 : memref<1x128x16xf32, #tpu.memory_space<vmem>> -> memref<128x16xf32, #tpu.memory_space<vmem>>
      %dma_wait3A_147 = arith.constant 0 : i32
      %dma_wait3A_148 = tpu.memref_slice %arg6[%scan3A_112, %dma_wait3A_147] : memref<80x128xi32, #tpu.memory_space<vmem>> -> memref<1x128xi32, #tpu.memory_space<vmem>>
      %dma_wait3A_149 = tpu.memref_squeeze %dma_wait3A_148 : memref<1x128xi32, #tpu.memory_space<vmem>> -> memref<128xi32, #tpu.memory_space<vmem>>
      %dma_wait3A_150 = arith.constant 0 : i32
      %dma_wait3A_151 = arith.constant 0 : i32
      %dma_wait3A_152 = tpu.memref_slice %arg10[%dma_wait3A_150, %dma_wait3A_151] : memref<10112x16xf32, #tpu.memory_space<vmem_shared>> -> memref<10112x16xf32, #tpu.memory_space<vmem_shared>>
      %dma_wait3A_153 = tpu.memref_slice %arg12[%rem3A_113] : memref<2x!tpu.dma_semaphore, #tpu.memory_space<semaphore_mem>> -> memref<1x!tpu.dma_semaphore, #tpu.memory_space<semaphore_mem>>
      %dma_wait3A_154 = tpu.memref_squeeze %dma_wait3A_153 : memref<1x!tpu.dma_semaphore, #tpu.memory_space<semaphore_mem>> -> memref<!tpu.dma_semaphore, #tpu.memory_space<semaphore_mem>>
      tpu.wait_indirect_dma semaphore(%dma_wait3A_154 : memref<!tpu.dma_semaphore, #tpu.memory_space<semaphore_mem>>) src(%dma_wait3A_152 : memref<10112x16xf32, #tpu.memory_space<vmem_shared>>) dst(%dma_wait3A_146 : memref<128x16xf32, #tpu.memory_space<vmem>>)
      %dma_start3A_155 = arith.constant 0 : i32
      %dma_start3A_156 = arith.constant 0 : i32
      %dma_start3A_157 = tpu.memref_slice %arg8[%rem3A_113, %dma_start3A_155, %dma_start3A_156] : memref<2x128x16xf32, #tpu.memory_space<vmem>> -> memref<1x128x16xf32, #tpu.memory_space<vmem>>
      %dma_start3A_158 = tpu.memref_squeeze %dma_start3A_157 : memref<1x128x16xf32, #tpu.memory_space<vmem>> -> memref<128x16xf32, #tpu.memory_space<vmem>>
      %dma_start3A_159 = arith.constant 0 : i32
      %dma_start3A_160 = tpu.memref_slice %arg7[%scan3A_112, %dma_start3A_159] : memref<80x128xi32, #tpu.memory_space<vmem>> -> memref<1x128xi32, #tpu.memory_space<vmem>>
      %dma_start3A_161 = tpu.memref_squeeze %dma_start3A_160 : memref<1x128xi32, #tpu.memory_space<vmem>> -> memref<128xi32, #tpu.memory_space<vmem>>
      %dma_start3A_162 = arith.constant 0 : i32
      %dma_start3A_163 = arith.constant 0 : i32
      %dma_start3A_164 = tpu.memref_slice %arg11[%dma_start3A_162, %dma_start3A_163] : memref<10112x16xf32, #tpu.memory_space<vmem_shared>> -> memref<10112x16xf32, #tpu.memory_space<vmem_shared>>
      %dma_start3A_165 = tpu.memref_slice %arg13[%rem3A_113] : memref<2x!tpu.dma_semaphore, #tpu.memory_space<semaphore_mem>> -> memref<1x!tpu.dma_semaphore, #tpu.memory_space<semaphore_mem>>
      %dma_start3A_166 = tpu.memref_squeeze %dma_start3A_165 : memref<1x!tpu.dma_semaphore, #tpu.memory_space<semaphore_mem>> -> memref<!tpu.dma_semaphore, #tpu.memory_space<semaphore_mem>>
      tpu.enqueue_indirect_dma source(%dma_start3A_158 : memref<128x16xf32, #tpu.memory_space<vmem>>) target(%dma_start3A_164 : memref<10112x16xf32, #tpu.memory_space<vmem_shared>>) offsets(%dma_start3A_161 : memref<128xi32, #tpu.memory_space<vmem>>) semaphore(%dma_start3A_166 : memref<!tpu.dma_semaphore, #tpu.memory_space<semaphore_mem>>) {add = true}
    }
    %scan3A_76 = arith.constant 78 : i32
    %dma_wait3A_77 = arith.constant 0 : i32
    %dma_wait3A_78 = arith.constant 78 : i32
    %dma_wait3A_79 = arith.constant 0 : i32
    %dma_wait3A_80 = arith.constant 0 : i32
    %dma_wait3A_81 = arith.constant 0 : i32
    %dma_wait3A_82 = tpu.memref_slice %arg8[%dma_wait3A_77, %dma_wait3A_80, %dma_wait3A_81] : memref<2x128x16xf32, #tpu.memory_space<vmem>> -> memref<1x128x16xf32, #tpu.memory_space<vmem>>
    %dma_wait3A_83 = tpu.memref_squeeze %dma_wait3A_82 : memref<1x128x16xf32, #tpu.memory_space<vmem>> -> memref<128x16xf32, #tpu.memory_space<vmem>>
    %dma_wait3A_84 = arith.constant 0 : i32
    %dma_wait3A_85 = tpu.memref_slice %arg7[%dma_wait3A_78, %dma_wait3A_84] : memref<80x128xi32, #tpu.memory_space<vmem>> -> memref<1x128xi32, #tpu.memory_space<vmem>>
    %dma_wait3A_86 = tpu.memref_squeeze %dma_wait3A_85 : memref<1x128xi32, #tpu.memory_space<vmem>> -> memref<128xi32, #tpu.memory_space<vmem>>
    %dma_wait3A_87 = arith.constant 0 : i32
    %dma_wait3A_88 = arith.constant 0 : i32
    %dma_wait3A_89 = tpu.memref_slice %arg11[%dma_wait3A_87, %dma_wait3A_88] : memref<10112x16xf32, #tpu.memory_space<vmem_shared>> -> memref<10112x16xf32, #tpu.memory_space<vmem_shared>>
    %dma_wait3A_90 = tpu.memref_slice %arg13[%dma_wait3A_79] : memref<2x!tpu.dma_semaphore, #tpu.memory_space<semaphore_mem>> -> memref<1x!tpu.dma_semaphore, #tpu.memory_space<semaphore_mem>>
    %dma_wait3A_91 = tpu.memref_squeeze %dma_wait3A_90 : memref<1x!tpu.dma_semaphore, #tpu.memory_space<semaphore_mem>> -> memref<!tpu.dma_semaphore, #tpu.memory_space<semaphore_mem>>
    tpu.wait_indirect_dma semaphore(%dma_wait3A_91 : memref<!tpu.dma_semaphore, #tpu.memory_space<semaphore_mem>>) src(%dma_wait3A_83 : memref<128x16xf32, #tpu.memory_space<vmem>>) dst(%dma_wait3A_89 : memref<10112x16xf32, #tpu.memory_space<vmem_shared>>)
    %dma_wait3A_92 = arith.constant 79 : i32
    %dma_wait3A_93 = arith.constant 1 : i32
    %dma_wait3A_94 = arith.constant 1 : i32
    %dma_wait3A_95 = arith.constant 0 : i32
    %dma_wait3A_96 = arith.constant 0 : i32
    %dma_wait3A_97 = tpu.memref_slice %arg8[%dma_wait3A_93, %dma_wait3A_95, %dma_wait3A_96] : memref<2x128x16xf32, #tpu.memory_space<vmem>> -> memref<1x128x16xf32, #tpu.memory_space<vmem>>
    %dma_wait3A_98 = tpu.memref_squeeze %dma_wait3A_97 : memref<1x128x16xf32, #tpu.memory_space<vmem>> -> memref<128x16xf32, #tpu.memory_space<vmem>>
    %dma_wait3A_99 = arith.constant 0 : i32
    %dma_wait3A_100 = tpu.memref_slice %arg6[%dma_wait3A_92, %dma_wait3A_99] : memref<80x128xi32, #tpu.memory_space<vmem>> -> memref<1x128xi32, #tpu.memory_space<vmem>>
    %dma_wait3A_101 = tpu.memref_squeeze %dma_wait3A_100 : memref<1x128xi32, #tpu.memory_space<vmem>> -> memref<128xi32, #tpu.memory_space<vmem>>
    %dma_wait3A_102 = arith.constant 0 : i32
    %dma_wait3A_103 = arith.constant 0 : i32
    %dma_wait3A_104 = tpu.memref_slice %arg10[%dma_wait3A_102, %dma_wait3A_103] : memref<10112x16xf32, #tpu.memory_space<vmem_shared>> -> memref<10112x16xf32, #tpu.memory_space<vmem_shared>>
    %dma_wait3A_105 = tpu.memref_slice %arg12[%dma_wait3A_94] : memref<2x!tpu.dma_semaphore, #tpu.memory_space<semaphore_mem>> -> memref<1x!tpu.dma_semaphore, #tpu.memory_space<semaphore_mem>>
    %dma_wait3A_106 = tpu.memref_squeeze %dma_wait3A_105 : memref<1x!tpu.dma_semaphore, #tpu.memory_space<semaphore_mem>> -> memref<!tpu.dma_semaphore, #tpu.memory_space<semaphore_mem>>
    tpu.wait_indirect_dma semaphore(%dma_wait3A_106 : memref<!tpu.dma_semaphore, #tpu.memory_space<semaphore_mem>>) src(%dma_wait3A_104 : memref<10112x16xf32, #tpu.memory_space<vmem_shared>>) dst(%dma_wait3A_98 : memref<128x16xf32, #tpu.memory_space<vmem>>)
    %barrier3A_107 = arith.constant 0 : index
    tpu.barrier barrier_id(%barrier3A_107)
    %mul3A_108 = arith.constant 632 : i32
    %mul3A_109 = arith.muli %arg1, %mul3A_108 : i32
    %mul3A_110 = arith.constant 632 : i32
    %mul3A_111 = arith.muli %arg1, %mul3A_110 : i32
    "tpu.region"() ({
      %run_scoped3A = tpu.sem_alloc : memref<!tpu.dma_semaphore, #tpu.memory_space<semaphore_mem>>
      %dma_start3A_112 = arith.constant 0 : i32
      %dma_start3A_113 = tpu.memref_slice %arg5[%arg0, %mul3A_111, %dma_start3A_112] : memref<2x10112x16xf32, #tpu.memory_space<hbm>> -> memref<1x632x16xf32, #tpu.memory_space<hbm>>
      %dma_start3A_114 = tpu.memref_squeeze %dma_start3A_113 : memref<1x632x16xf32, #tpu.memory_space<hbm>> -> memref<632x16xf32, #tpu.memory_space<hbm>>
      %dma_start3A_115 = arith.constant 0 : i32
      %dma_start3A_116 = tpu.memref_slice %arg11[%mul3A_109, %dma_start3A_115] : memref<10112x16xf32, #tpu.memory_space<vmem_shared>> -> memref<632x16xf32, #tpu.memory_space<vmem_shared>>
      tpu.enqueue_dma source(%dma_start3A_116 : memref<632x16xf32, #tpu.memory_space<vmem_shared>>) target(%dma_start3A_114 : memref<632x16xf32, #tpu.memory_space<hbm>>) target_semaphore(%run_scoped3A : memref<!tpu.dma_semaphore, #tpu.memory_space<semaphore_mem>>)
      %dma_wait3A_117 = arith.constant 0 : i32
      %dma_wait3A_118 = tpu.memref_slice %arg5[%arg0, %mul3A_111, %dma_wait3A_117] : memref<2x10112x16xf32, #tpu.memory_space<hbm>> -> memref<1x632x16xf32, #tpu.memory_space<hbm>>
      %dma_wait3A_119 = tpu.memref_squeeze %dma_wait3A_118 : memref<1x632x16xf32, #tpu.memory_space<hbm>> -> memref<632x16xf32, #tpu.memory_space<hbm>>
      %dma_wait3A_120 = arith.constant 0 : i32
      %dma_wait3A_121 = tpu.memref_slice %arg11[%mul3A_109, %dma_wait3A_120] : memref<10112x16xf32, #tpu.memory_space<vmem_shared>> -> memref<632x16xf32, #tpu.memory_space<vmem_shared>>
      tpu.wait_dma2 semaphore(%run_scoped3A : memref<!tpu.dma_semaphore, #tpu.memory_space<semaphore_mem>>) src(%dma_wait3A_121 : memref<632x16xf32, #tpu.memory_space<vmem_shared>>) dst(%dma_wait3A_119 : memref<632x16xf32, #tpu.memory_space<hbm>>)
      tpu.yield
    }) : () -> ()
    return
  }
}

#map = affine_map<(d0, d1) -> (0, 0, 0)>
#map1 = affine_map<(d0, d1) -> (0, 0)>
module attributes {stable_mosaic.version = 14 : i64} {
  func.func @_agg_body(%arg0: i32, %arg1: i32, %arg2: memref<32x80x128xi32, #tpu.memory_space<hbm>>, %arg3: memref<32x80x128xi32, #tpu.memory_space<hbm>>, %arg4: memref<10112x16xf32, #tpu.memory_space<hbm>>, %arg5: memref<2x10112x16xf32, #tpu.memory_space<hbm>>, %arg6: memref<80x128xi32, #tpu.memory_space<vmem>>, %arg7: memref<80x128xi32, #tpu.memory_space<vmem>>, %arg8: memref<2x128x16xf32, #tpu.memory_space<vmem>>, %arg9: memref<632x16xf32, #tpu.memory_space<vmem>>, %arg10: memref<10112x16xf32, #tpu.memory_space<vmem_shared>>, %arg11: memref<10112x16xf32, #tpu.memory_space<vmem_shared>>, %arg12: memref<2x!tpu.dma_semaphore, #tpu.memory_space<semaphore_mem>>, %arg13: memref<2x!tpu.dma_semaphore, #tpu.memory_space<semaphore_mem>>) attributes {dimension_semantics = [#tpu.dimension_semantics<core_parallel>, #tpu.dimension_semantics<subcore_parallel>], iteration_bounds = array<i64: 2, 16>, scalar_prefetch = 0 : i64, scratch_operands = 8 : i64, tpu.core_type = #tpu.core_type<sc_vector_subcore>, window_params = [{transform_indices = #map}, {transform_indices = #map}, {transform_indices = #map1}, {transform_indices = #map}]} {
    %mul3A = arith.constant 2 : i32
    %mul3A_0 = arith.muli %arg1, %mul3A : i32
    %add3A = arith.addi %mul3A_0, %arg0 : i32
    "tpu.region"() ({
      %run_scoped3A = tpu.sem_alloc : memref<!tpu.dma_semaphore, #tpu.memory_space<semaphore_mem>>
      %dma_start3A_112 = arith.constant 0 : i32
      %dma_start3A_113 = arith.constant 0 : i32
      %dma_start3A_114 = tpu.memref_slice %arg2[%add3A, %dma_start3A_112, %dma_start3A_113] : memref<32x80x128xi32, #tpu.memory_space<hbm>> -> memref<1x80x128xi32, #tpu.memory_space<hbm>>
      %dma_start3A_115 = tpu.memref_squeeze %dma_start3A_114 : memref<1x80x128xi32, #tpu.memory_space<hbm>> -> memref<80x128xi32, #tpu.memory_space<hbm>>
      %dma_start3A_116 = arith.constant 0 : i32
      %dma_start3A_117 = arith.constant 0 : i32
      %dma_start3A_118 = tpu.memref_slice %arg2[%add3A, %dma_start3A_116, %dma_start3A_117] : memref<32x80x128xi32, #tpu.memory_space<hbm>> -> memref<1x80x128xi32, #tpu.memory_space<hbm>>
      %dma_start3A_119 = tpu.memref_squeeze %dma_start3A_118 : memref<1x80x128xi32, #tpu.memory_space<hbm>> -> memref<80x128xi32, #tpu.memory_space<hbm>>
      tpu.enqueue_dma source(%dma_start3A_119 : memref<80x128xi32, #tpu.memory_space<hbm>>) target(%arg6 : memref<80x128xi32, #tpu.memory_space<vmem>>) target_semaphore(%run_scoped3A : memref<!tpu.dma_semaphore, #tpu.memory_space<semaphore_mem>>)
      %dma_wait3A_120 = arith.constant 0 : i32
      %dma_wait3A_121 = arith.constant 0 : i32
      %dma_wait3A_122 = tpu.memref_slice %arg2[%add3A, %dma_wait3A_120, %dma_wait3A_121] : memref<32x80x128xi32, #tpu.memory_space<hbm>> -> memref<1x80x128xi32, #tpu.memory_space<hbm>>
      %dma_wait3A_123 = tpu.memref_squeeze %dma_wait3A_122 : memref<1x80x128xi32, #tpu.memory_space<hbm>> -> memref<80x128xi32, #tpu.memory_space<hbm>>
      %dma_wait3A_124 = arith.constant 0 : i32
      %dma_wait3A_125 = arith.constant 0 : i32
      %dma_wait3A_126 = tpu.memref_slice %arg2[%add3A, %dma_wait3A_124, %dma_wait3A_125] : memref<32x80x128xi32, #tpu.memory_space<hbm>> -> memref<1x80x128xi32, #tpu.memory_space<hbm>>
      %dma_wait3A_127 = tpu.memref_squeeze %dma_wait3A_126 : memref<1x80x128xi32, #tpu.memory_space<hbm>> -> memref<80x128xi32, #tpu.memory_space<hbm>>
      tpu.wait_dma2 semaphore(%run_scoped3A : memref<!tpu.dma_semaphore, #tpu.memory_space<semaphore_mem>>) src(%dma_wait3A_127 : memref<80x128xi32, #tpu.memory_space<hbm>>) dst(%arg6 : memref<80x128xi32, #tpu.memory_space<vmem>>)
      tpu.yield
    }) : () -> ()
    "tpu.region"() ({
      %run_scoped3A = tpu.sem_alloc : memref<!tpu.dma_semaphore, #tpu.memory_space<semaphore_mem>>
      %dma_start3A_112 = arith.constant 0 : i32
      %dma_start3A_113 = arith.constant 0 : i32
      %dma_start3A_114 = tpu.memref_slice %arg3[%add3A, %dma_start3A_112, %dma_start3A_113] : memref<32x80x128xi32, #tpu.memory_space<hbm>> -> memref<1x80x128xi32, #tpu.memory_space<hbm>>
      %dma_start3A_115 = tpu.memref_squeeze %dma_start3A_114 : memref<1x80x128xi32, #tpu.memory_space<hbm>> -> memref<80x128xi32, #tpu.memory_space<hbm>>
      %dma_start3A_116 = arith.constant 0 : i32
      %dma_start3A_117 = arith.constant 0 : i32
      %dma_start3A_118 = tpu.memref_slice %arg3[%add3A, %dma_start3A_116, %dma_start3A_117] : memref<32x80x128xi32, #tpu.memory_space<hbm>> -> memref<1x80x128xi32, #tpu.memory_space<hbm>>
      %dma_start3A_119 = tpu.memref_squeeze %dma_start3A_118 : memref<1x80x128xi32, #tpu.memory_space<hbm>> -> memref<80x128xi32, #tpu.memory_space<hbm>>
      tpu.enqueue_dma source(%dma_start3A_119 : memref<80x128xi32, #tpu.memory_space<hbm>>) target(%arg7 : memref<80x128xi32, #tpu.memory_space<vmem>>) target_semaphore(%run_scoped3A : memref<!tpu.dma_semaphore, #tpu.memory_space<semaphore_mem>>)
      %dma_wait3A_120 = arith.constant 0 : i32
      %dma_wait3A_121 = arith.constant 0 : i32
      %dma_wait3A_122 = tpu.memref_slice %arg3[%add3A, %dma_wait3A_120, %dma_wait3A_121] : memref<32x80x128xi32, #tpu.memory_space<hbm>> -> memref<1x80x128xi32, #tpu.memory_space<hbm>>
      %dma_wait3A_123 = tpu.memref_squeeze %dma_wait3A_122 : memref<1x80x128xi32, #tpu.memory_space<hbm>> -> memref<80x128xi32, #tpu.memory_space<hbm>>
      %dma_wait3A_124 = arith.constant 0 : i32
      %dma_wait3A_125 = arith.constant 0 : i32
      %dma_wait3A_126 = tpu.memref_slice %arg3[%add3A, %dma_wait3A_124, %dma_wait3A_125] : memref<32x80x128xi32, #tpu.memory_space<hbm>> -> memref<1x80x128xi32, #tpu.memory_space<hbm>>
      %dma_wait3A_127 = tpu.memref_squeeze %dma_wait3A_126 : memref<1x80x128xi32, #tpu.memory_space<hbm>> -> memref<80x128xi32, #tpu.memory_space<hbm>>
      tpu.wait_dma2 semaphore(%run_scoped3A : memref<!tpu.dma_semaphore, #tpu.memory_space<semaphore_mem>>) src(%dma_wait3A_127 : memref<80x128xi32, #tpu.memory_space<hbm>>) dst(%arg7 : memref<80x128xi32, #tpu.memory_space<vmem>>)
      tpu.yield
    }) : () -> ()
    %mul3A_1 = arith.constant 632 : i32
    %mul3A_2 = arith.muli %arg1, %mul3A_1 : i32
    %mul3A_3 = arith.constant 632 : i32
    %mul3A_4 = arith.muli %arg1, %mul3A_3 : i32
    "tpu.region"() ({
      %run_scoped3A = tpu.sem_alloc : memref<!tpu.dma_semaphore, #tpu.memory_space<semaphore_mem>>
      %dma_start3A_112 = arith.constant 0 : i32
      %dma_start3A_113 = tpu.memref_slice %arg10[%mul3A_4, %dma_start3A_112] : memref<10112x16xf32, #tpu.memory_space<vmem_shared>> -> memref<632x16xf32, #tpu.memory_space<vmem_shared>>
      %dma_start3A_114 = arith.constant 0 : i32
      %dma_start3A_115 = tpu.memref_slice %arg4[%mul3A_2, %dma_start3A_114] : memref<10112x16xf32, #tpu.memory_space<hbm>> -> memref<632x16xf32, #tpu.memory_space<hbm>>
      tpu.enqueue_dma source(%dma_start3A_115 : memref<632x16xf32, #tpu.memory_space<hbm>>) target(%dma_start3A_113 : memref<632x16xf32, #tpu.memory_space<vmem_shared>>) target_semaphore(%run_scoped3A : memref<!tpu.dma_semaphore, #tpu.memory_space<semaphore_mem>>)
      %dma_wait3A_116 = arith.constant 0 : i32
      %dma_wait3A_117 = tpu.memref_slice %arg10[%mul3A_4, %dma_wait3A_116] : memref<10112x16xf32, #tpu.memory_space<vmem_shared>> -> memref<632x16xf32, #tpu.memory_space<vmem_shared>>
      %dma_wait3A_118 = arith.constant 0 : i32
      %dma_wait3A_119 = tpu.memref_slice %arg4[%mul3A_2, %dma_wait3A_118] : memref<10112x16xf32, #tpu.memory_space<hbm>> -> memref<632x16xf32, #tpu.memory_space<hbm>>
      tpu.wait_dma2 semaphore(%run_scoped3A : memref<!tpu.dma_semaphore, #tpu.memory_space<semaphore_mem>>) src(%dma_wait3A_119 : memref<632x16xf32, #tpu.memory_space<hbm>>) dst(%dma_wait3A_117 : memref<632x16xf32, #tpu.memory_space<vmem_shared>>)
      tpu.yield
    }) : () -> ()
    %broadcast_in_dim3A = arith.constant 0.000000e+00 : f32
    %broadcast_in_dim3A_5 = vector.broadcast %broadcast_in_dim3A : f32 to vector<16xf32>
    %scan3A = arith.constant 0 : i32
    %scan3A_6 = arith.constant 0 : i32
    %scan3A_7 = arith.constant 632 : i32
    %scan3A_8 = arith.addi %scan3A_6, %scan3A_7 : i32
    %scan3A_9 = arith.constant 1 : i32
    scf.for %scan3A_112 = %scan3A_6 to %scan3A_8 step %scan3A_9  : i32 {
      %swap3A = arith.index_cast %scan3A_112 : i32 to index
      %swap3A_113 = arith.constant 0 : index
      %swap3A_114 = tpu.vector_load %arg9[%swap3A, %swap3A_113] {strides = array<i32>} : memref<632x16xf32, #tpu.memory_space<vmem>>, vector<1x16xf32>,
      %swap3A_115 = vector.shape_cast %swap3A_114 : vector<1x16xf32> to vector<16xf32>
      %swap3A_116 = vector.shape_cast %broadcast_in_dim3A_5 : vector<16xf32> to vector<1x16xf32>
      tpu.vector_store %arg9[%swap3A, %swap3A_113], %swap3A_116 {strides = array<i32>} : memref<632x16xf32, #tpu.memory_space<vmem>>, vector<1x16xf32>,
    }
    %scan3A_10 = arith.constant 632 : i32
    %mul3A_11 = arith.constant 632 : i32
    %mul3A_12 = arith.muli %arg1, %mul3A_11 : i32
    "tpu.region"() ({
      %run_scoped3A = tpu.sem_alloc : memref<!tpu.dma_semaphore, #tpu.memory_space<semaphore_mem>>
      %dma_start3A_112 = arith.constant 0 : i32
      %dma_start3A_113 = tpu.memref_slice %arg11[%mul3A_12, %dma_start3A_112] : memref<10112x16xf32, #tpu.memory_space<vmem_shared>> -> memref<632x16xf32, #tpu.memory_space<vmem_shared>>
      %dma_start3A_114 = arith.constant 0 : i32
      %dma_start3A_115 = tpu.memref_slice %arg11[%mul3A_12, %dma_start3A_114] : memref<10112x16xf32, #tpu.memory_space<vmem_shared>> -> memref<632x16xf32, #tpu.memory_space<vmem_shared>>
      tpu.enqueue_dma source(%arg9 : memref<632x16xf32, #tpu.memory_space<vmem>>) target(%dma_start3A_115 : memref<632x16xf32, #tpu.memory_space<vmem_shared>>) target_semaphore(%run_scoped3A : memref<!tpu.dma_semaphore, #tpu.memory_space<semaphore_mem>>)
      %dma_wait3A_116 = arith.constant 0 : i32
      %dma_wait3A_117 = tpu.memref_slice %arg11[%mul3A_12, %dma_wait3A_116] : memref<10112x16xf32, #tpu.memory_space<vmem_shared>> -> memref<632x16xf32, #tpu.memory_space<vmem_shared>>
      %dma_wait3A_118 = arith.constant 0 : i32
      %dma_wait3A_119 = tpu.memref_slice %arg11[%mul3A_12, %dma_wait3A_118] : memref<10112x16xf32, #tpu.memory_space<vmem_shared>> -> memref<632x16xf32, #tpu.memory_space<vmem_shared>>
      tpu.wait_dma2 semaphore(%run_scoped3A : memref<!tpu.dma_semaphore, #tpu.memory_space<semaphore_mem>>) src(%arg9 : memref<632x16xf32, #tpu.memory_space<vmem>>) dst(%dma_wait3A_119 : memref<632x16xf32, #tpu.memory_space<vmem_shared>>)
      tpu.yield
    }) : () -> ()
    %barrier3A = arith.constant 0 : index
    tpu.barrier barrier_id(%barrier3A)
    %dma_start3A = arith.constant 0 : i32
    %dma_start3A_13 = arith.constant 0 : i32
    %dma_start3A_14 = arith.constant 0 : i32
    %dma_start3A_15 = arith.constant 0 : i32
    %dma_start3A_16 = arith.constant 0 : i32
    %dma_start3A_17 = tpu.memref_slice %arg8[%dma_start3A_13, %dma_start3A_15, %dma_start3A_16] : memref<2x128x16xf32, #tpu.memory_space<vmem>> -> memref<1x128x16xf32, #tpu.memory_space<vmem>>
    %dma_start3A_18 = tpu.memref_squeeze %dma_start3A_17 : memref<1x128x16xf32, #tpu.memory_space<vmem>> -> memref<128x16xf32, #tpu.memory_space<vmem>>
    %dma_start3A_19 = arith.constant 0 : i32
    %dma_start3A_20 = tpu.memref_slice %arg6[%dma_start3A, %dma_start3A_19] : memref<80x128xi32, #tpu.memory_space<vmem>> -> memref<1x128xi32, #tpu.memory_space<vmem>>
    %dma_start3A_21 = tpu.memref_squeeze %dma_start3A_20 : memref<1x128xi32, #tpu.memory_space<vmem>> -> memref<128xi32, #tpu.memory_space<vmem>>
    %dma_start3A_22 = arith.constant 0 : i32
    %dma_start3A_23 = arith.constant 0 : i32
    %dma_start3A_24 = tpu.memref_slice %arg10[%dma_start3A_22, %dma_start3A_23] : memref<10112x16xf32, #tpu.memory_space<vmem_shared>> -> memref<10112x16xf32, #tpu.memory_space<vmem_shared>>
    %dma_start3A_25 = tpu.memref_slice %arg12[%dma_start3A_14] : memref<2x!tpu.dma_semaphore, #tpu.memory_space<semaphore_mem>> -> memref<1x!tpu.dma_semaphore, #tpu.memory_space<semaphore_mem>>
    %dma_start3A_26 = tpu.memref_squeeze %dma_start3A_25 : memref<1x!tpu.dma_semaphore, #tpu.memory_space<semaphore_mem>> -> memref<!tpu.dma_semaphore, #tpu.memory_space<semaphore_mem>>
    tpu.enqueue_indirect_dma source(%dma_start3A_24 : memref<10112x16xf32, #tpu.memory_space<vmem_shared>>) target(%dma_start3A_18 : memref<128x16xf32, #tpu.memory_space<vmem>>) offsets(%dma_start3A_21 : memref<128xi32, #tpu.memory_space<vmem>>) semaphore(%dma_start3A_26 : memref<!tpu.dma_semaphore, #tpu.memory_space<semaphore_mem>>)
    %dma_start3A_27 = arith.constant 1 : i32
    %dma_start3A_28 = arith.constant 1 : i32
    %dma_start3A_29 = arith.constant 1 : i32
    %dma_start3A_30 = arith.constant 0 : i32
    %dma_start3A_31 = arith.constant 0 : i32
    %dma_start3A_32 = tpu.memref_slice %arg8[%dma_start3A_28, %dma_start3A_30, %dma_start3A_31] : memref<2x128x16xf32, #tpu.memory_space<vmem>> -> memref<1x128x16xf32, #tpu.memory_space<vmem>>
    %dma_start3A_33 = tpu.memref_squeeze %dma_start3A_32 : memref<1x128x16xf32, #tpu.memory_space<vmem>> -> memref<128x16xf32, #tpu.memory_space<vmem>>
    %dma_start3A_34 = arith.constant 0 : i32
    %dma_start3A_35 = tpu.memref_slice %arg6[%dma_start3A_27, %dma_start3A_34] : memref<80x128xi32, #tpu.memory_space<vmem>> -> memref<1x128xi32, #tpu.memory_space<vmem>>
    %dma_start3A_36 = tpu.memref_squeeze %dma_start3A_35 : memref<1x128xi32, #tpu.memory_space<vmem>> -> memref<128xi32, #tpu.memory_space<vmem>>
    %dma_start3A_37 = arith.constant 0 : i32
    %dma_start3A_38 = arith.constant 0 : i32
    %dma_start3A_39 = tpu.memref_slice %arg10[%dma_start3A_37, %dma_start3A_38] : memref<10112x16xf32, #tpu.memory_space<vmem_shared>> -> memref<10112x16xf32, #tpu.memory_space<vmem_shared>>
    %dma_start3A_40 = tpu.memref_slice %arg12[%dma_start3A_29] : memref<2x!tpu.dma_semaphore, #tpu.memory_space<semaphore_mem>> -> memref<1x!tpu.dma_semaphore, #tpu.memory_space<semaphore_mem>>
    %dma_start3A_41 = tpu.memref_squeeze %dma_start3A_40 : memref<1x!tpu.dma_semaphore, #tpu.memory_space<semaphore_mem>> -> memref<!tpu.dma_semaphore, #tpu.memory_space<semaphore_mem>>
    tpu.enqueue_indirect_dma source(%dma_start3A_39 : memref<10112x16xf32, #tpu.memory_space<vmem_shared>>) target(%dma_start3A_33 : memref<128x16xf32, #tpu.memory_space<vmem>>) offsets(%dma_start3A_36 : memref<128xi32, #tpu.memory_space<vmem>>) semaphore(%dma_start3A_41 : memref<!tpu.dma_semaphore, #tpu.memory_space<semaphore_mem>>)
    %dma_wait3A = arith.constant 0 : i32
    %dma_wait3A_42 = arith.constant 0 : i32
    %dma_wait3A_43 = arith.constant 0 : i32
    %dma_wait3A_44 = arith.constant 0 : i32
    %dma_wait3A_45 = arith.constant 0 : i32
    %dma_wait3A_46 = tpu.memref_slice %arg8[%dma_wait3A_42, %dma_wait3A_44, %dma_wait3A_45] : memref<2x128x16xf32, #tpu.memory_space<vmem>> -> memref<1x128x16xf32, #tpu.memory_space<vmem>>
    %dma_wait3A_47 = tpu.memref_squeeze %dma_wait3A_46 : memref<1x128x16xf32, #tpu.memory_space<vmem>> -> memref<128x16xf32, #tpu.memory_space<vmem>>
    %dma_wait3A_48 = arith.constant 0 : i32
    %dma_wait3A_49 = tpu.memref_slice %arg6[%dma_wait3A, %dma_wait3A_48] : memref<80x128xi32, #tpu.memory_space<vmem>> -> memref<1x128xi32, #tpu.memory_space<vmem>>
    %dma_wait3A_50 = tpu.memref_squeeze %dma_wait3A_49 : memref<1x128xi32, #tpu.memory_space<vmem>> -> memref<128xi32, #tpu.memory_space<vmem>>
    %dma_wait3A_51 = arith.constant 0 : i32
    %dma_wait3A_52 = arith.constant 0 : i32
    %dma_wait3A_53 = tpu.memref_slice %arg10[%dma_wait3A_51, %dma_wait3A_52] : memref<10112x16xf32, #tpu.memory_space<vmem_shared>> -> memref<10112x16xf32, #tpu.memory_space<vmem_shared>>
    %dma_wait3A_54 = tpu.memref_slice %arg12[%dma_wait3A_43] : memref<2x!tpu.dma_semaphore, #tpu.memory_space<semaphore_mem>> -> memref<1x!tpu.dma_semaphore, #tpu.memory_space<semaphore_mem>>
    %dma_wait3A_55 = tpu.memref_squeeze %dma_wait3A_54 : memref<1x!tpu.dma_semaphore, #tpu.memory_space<semaphore_mem>> -> memref<!tpu.dma_semaphore, #tpu.memory_space<semaphore_mem>>
    tpu.wait_indirect_dma semaphore(%dma_wait3A_55 : memref<!tpu.dma_semaphore, #tpu.memory_space<semaphore_mem>>) src(%dma_wait3A_53 : memref<10112x16xf32, #tpu.memory_space<vmem_shared>>) dst(%dma_wait3A_47 : memref<128x16xf32, #tpu.memory_space<vmem>>)
    %dma_start3A_56 = arith.constant 0 : i32
    %dma_start3A_57 = arith.constant 0 : i32
    %dma_start3A_58 = arith.constant 0 : i32
    %dma_start3A_59 = arith.constant 0 : i32
    %dma_start3A_60 = arith.constant 0 : i32
    %dma_start3A_61 = tpu.memref_slice %arg8[%dma_start3A_56, %dma_start3A_59, %dma_start3A_60] : memref<2x128x16xf32, #tpu.memory_space<vmem>> -> memref<1x128x16xf32, #tpu.memory_space<vmem>>
    %dma_start3A_62 = tpu.memref_squeeze %dma_start3A_61 : memref<1x128x16xf32, #tpu.memory_space<vmem>> -> memref<128x16xf32, #tpu.memory_space<vmem>>
    %dma_start3A_63 = arith.constant 0 : i32
    %dma_start3A_64 = tpu.memref_slice %arg7[%dma_start3A_57, %dma_start3A_63] : memref<80x128xi32, #tpu.memory_space<vmem>> -> memref<1x128xi32, #tpu.memory_space<vmem>>
    %dma_start3A_65 = tpu.memref_squeeze %dma_start3A_64 : memref<1x128xi32, #tpu.memory_space<vmem>> -> memref<128xi32, #tpu.memory_space<vmem>>
    %dma_start3A_66 = arith.constant 0 : i32
    %dma_start3A_67 = arith.constant 0 : i32
    %dma_start3A_68 = tpu.memref_slice %arg11[%dma_start3A_66, %dma_start3A_67] : memref<10112x16xf32, #tpu.memory_space<vmem_shared>> -> memref<10112x16xf32, #tpu.memory_space<vmem_shared>>
    %dma_start3A_69 = tpu.memref_slice %arg13[%dma_start3A_58] : memref<2x!tpu.dma_semaphore, #tpu.memory_space<semaphore_mem>> -> memref<1x!tpu.dma_semaphore, #tpu.memory_space<semaphore_mem>>
    %dma_start3A_70 = tpu.memref_squeeze %dma_start3A_69 : memref<1x!tpu.dma_semaphore, #tpu.memory_space<semaphore_mem>> -> memref<!tpu.dma_semaphore, #tpu.memory_space<semaphore_mem>>
    tpu.enqueue_indirect_dma source(%dma_start3A_62 : memref<128x16xf32, #tpu.memory_space<vmem>>) target(%dma_start3A_68 : memref<10112x16xf32, #tpu.memory_space<vmem_shared>>) offsets(%dma_start3A_65 : memref<128xi32, #tpu.memory_space<vmem>>) semaphore(%dma_start3A_70 : memref<!tpu.dma_semaphore, #tpu.memory_space<semaphore_mem>>) {add = true}
    %scan3A_71 = arith.constant 0 : i32
    %scan3A_72 = arith.constant 1 : i32
    %scan3A_73 = arith.constant 78 : i32
    %scan3A_74 = arith.addi %scan3A_72, %scan3A_73 : i32
    %scan3A_75 = arith.constant 1 : i32
    scf.for %scan3A_112 = %scan3A_72 to %scan3A_74 step %scan3A_75  : i32 {
      %rem3A = arith.constant 2 : i32
      %rem3A_113 = arith.remsi %scan3A_112, %rem3A : i32
      %sub3A = arith.constant 1 : i32
      %sub3A_114 = arith.subi %sub3A, %rem3A_113 : i32
      %sub3A_115 = arith.constant 1 : i32
      %sub3A_116 = arith.subi %scan3A_112, %sub3A_115 : i32
      %dma_wait3A_117 = arith.constant 0 : i32
      %dma_wait3A_118 = arith.constant 0 : i32
      %dma_wait3A_119 = tpu.memref_slice %arg8[%sub3A_114, %dma_wait3A_117, %dma_wait3A_118] : memref<2x128x16xf32, #tpu.memory_space<vmem>> -> memref<1x128x16xf32, #tpu.memory_space<vmem>>
      %dma_wait3A_120 = tpu.memref_squeeze %dma_wait3A_119 : memref<1x128x16xf32, #tpu.memory_space<vmem>> -> memref<128x16xf32, #tpu.memory_space<vmem>>
      %dma_wait3A_121 = arith.constant 0 : i32
      %dma_wait3A_122 = tpu.memref_slice %arg7[%sub3A_116, %dma_wait3A_121] : memref<80x128xi32, #tpu.memory_space<vmem>> -> memref<1x128xi32, #tpu.memory_space<vmem>>
      %dma_wait3A_123 = tpu.memref_squeeze %dma_wait3A_122 : memref<1x128xi32, #tpu.memory_space<vmem>> -> memref<128xi32, #tpu.memory_space<vmem>>
      %dma_wait3A_124 = arith.constant 0 : i32
      %dma_wait3A_125 = arith.constant 0 : i32
      %dma_wait3A_126 = tpu.memref_slice %arg11[%dma_wait3A_124, %dma_wait3A_125] : memref<10112x16xf32, #tpu.memory_space<vmem_shared>> -> memref<10112x16xf32, #tpu.memory_space<vmem_shared>>
      %dma_wait3A_127 = tpu.memref_slice %arg13[%sub3A_114] : memref<2x!tpu.dma_semaphore, #tpu.memory_space<semaphore_mem>> -> memref<1x!tpu.dma_semaphore, #tpu.memory_space<semaphore_mem>>
      %dma_wait3A_128 = tpu.memref_squeeze %dma_wait3A_127 : memref<1x!tpu.dma_semaphore, #tpu.memory_space<semaphore_mem>> -> memref<!tpu.dma_semaphore, #tpu.memory_space<semaphore_mem>>
      tpu.wait_indirect_dma semaphore(%dma_wait3A_128 : memref<!tpu.dma_semaphore, #tpu.memory_space<semaphore_mem>>) src(%dma_wait3A_120 : memref<128x16xf32, #tpu.memory_space<vmem>>) dst(%dma_wait3A_126 : memref<10112x16xf32, #tpu.memory_space<vmem_shared>>)
      %add3A_129 = arith.constant 1 : i32
      %add3A_130 = arith.addi %scan3A_112, %add3A_129 : i32
      %dma_start3A_131 = arith.constant 0 : i32
      %dma_start3A_132 = arith.constant 0 : i32
      %dma_start3A_133 = tpu.memref_slice %arg8[%sub3A_114, %dma_start3A_131, %dma_start3A_132] : memref<2x128x16xf32, #tpu.memory_space<vmem>> -> memref<1x128x16xf32, #tpu.memory_space<vmem>>
      %dma_start3A_134 = tpu.memref_squeeze %dma_start3A_133 : memref<1x128x16xf32, #tpu.memory_space<vmem>> -> memref<128x16xf32, #tpu.memory_space<vmem>>
      %dma_start3A_135 = arith.constant 0 : i32
      %dma_start3A_136 = tpu.memref_slice %arg6[%add3A_130, %dma_start3A_135] : memref<80x128xi32, #tpu.memory_space<vmem>> -> memref<1x128xi32, #tpu.memory_space<vmem>>
      %dma_start3A_137 = tpu.memref_squeeze %dma_start3A_136 : memref<1x128xi32, #tpu.memory_space<vmem>> -> memref<128xi32, #tpu.memory_space<vmem>>
      %dma_start3A_138 = arith.constant 0 : i32
      %dma_start3A_139 = arith.constant 0 : i32
      %dma_start3A_140 = tpu.memref_slice %arg10[%dma_start3A_138, %dma_start3A_139] : memref<10112x16xf32, #tpu.memory_space<vmem_shared>> -> memref<10112x16xf32, #tpu.memory_space<vmem_shared>>
      %dma_start3A_141 = tpu.memref_slice %arg12[%sub3A_114] : memref<2x!tpu.dma_semaphore, #tpu.memory_space<semaphore_mem>> -> memref<1x!tpu.dma_semaphore, #tpu.memory_space<semaphore_mem>>
      %dma_start3A_142 = tpu.memref_squeeze %dma_start3A_141 : memref<1x!tpu.dma_semaphore, #tpu.memory_space<semaphore_mem>> -> memref<!tpu.dma_semaphore, #tpu.memory_space<semaphore_mem>>
      tpu.enqueue_indirect_dma source(%dma_start3A_140 : memref<10112x16xf32, #tpu.memory_space<vmem_shared>>) target(%dma_start3A_134 : memref<128x16xf32, #tpu.memory_space<vmem>>) offsets(%dma_start3A_137 : memref<128xi32, #tpu.memory_space<vmem>>) semaphore(%dma_start3A_142 : memref<!tpu.dma_semaphore, #tpu.memory_space<semaphore_mem>>)
      %dma_wait3A_143 = arith.constant 0 : i32
      %dma_wait3A_144 = arith.constant 0 : i32
      %dma_wait3A_145 = tpu.memref_slice %arg8[%rem3A_113, %dma_wait3A_143, %dma_wait3A_144] : memref<2x128x16xf32, #tpu.memory_space<vmem>> -> memref<1x128x16xf32, #tpu.memory_space<vmem>>
      %dma_wait3A_146 = tpu.memref_squeeze %dma_wait3A_145 : memref<1x128x16xf32, #tpu.memory_space<vmem>> -> memref<128x16xf32, #tpu.memory_space<vmem>>
      %dma_wait3A_147 = arith.constant 0 : i32
      %dma_wait3A_148 = tpu.memref_slice %arg6[%scan3A_112, %dma_wait3A_147] : memref<80x128xi32, #tpu.memory_space<vmem>> -> memref<1x128xi32, #tpu.memory_space<vmem>>
      %dma_wait3A_149 = tpu.memref_squeeze %dma_wait3A_148 : memref<1x128xi32, #tpu.memory_space<vmem>> -> memref<128xi32, #tpu.memory_space<vmem>>
      %dma_wait3A_150 = arith.constant 0 : i32
      %dma_wait3A_151 = arith.constant 0 : i32
      %dma_wait3A_152 = tpu.memref_slice %arg10[%dma_wait3A_150, %dma_wait3A_151] : memref<10112x16xf32, #tpu.memory_space<vmem_shared>> -> memref<10112x16xf32, #tpu.memory_space<vmem_shared>>
      %dma_wait3A_153 = tpu.memref_slice %arg12[%rem3A_113] : memref<2x!tpu.dma_semaphore, #tpu.memory_space<semaphore_mem>> -> memref<1x!tpu.dma_semaphore, #tpu.memory_space<semaphore_mem>>
      %dma_wait3A_154 = tpu.memref_squeeze %dma_wait3A_153 : memref<1x!tpu.dma_semaphore, #tpu.memory_space<semaphore_mem>> -> memref<!tpu.dma_semaphore, #tpu.memory_space<semaphore_mem>>
      tpu.wait_indirect_dma semaphore(%dma_wait3A_154 : memref<!tpu.dma_semaphore, #tpu.memory_space<semaphore_mem>>) src(%dma_wait3A_152 : memref<10112x16xf32, #tpu.memory_space<vmem_shared>>) dst(%dma_wait3A_146 : memref<128x16xf32, #tpu.memory_space<vmem>>)
      %dma_start3A_155 = arith.constant 0 : i32
      %dma_start3A_156 = arith.constant 0 : i32
      %dma_start3A_157 = tpu.memref_slice %arg8[%rem3A_113, %dma_start3A_155, %dma_start3A_156] : memref<2x128x16xf32, #tpu.memory_space<vmem>> -> memref<1x128x16xf32, #tpu.memory_space<vmem>>
      %dma_start3A_158 = tpu.memref_squeeze %dma_start3A_157 : memref<1x128x16xf32, #tpu.memory_space<vmem>> -> memref<128x16xf32, #tpu.memory_space<vmem>>
      %dma_start3A_159 = arith.constant 0 : i32
      %dma_start3A_160 = tpu.memref_slice %arg7[%scan3A_112, %dma_start3A_159] : memref<80x128xi32, #tpu.memory_space<vmem>> -> memref<1x128xi32, #tpu.memory_space<vmem>>
      %dma_start3A_161 = tpu.memref_squeeze %dma_start3A_160 : memref<1x128xi32, #tpu.memory_space<vmem>> -> memref<128xi32, #tpu.memory_space<vmem>>
      %dma_start3A_162 = arith.constant 0 : i32
      %dma_start3A_163 = arith.constant 0 : i32
      %dma_start3A_164 = tpu.memref_slice %arg11[%dma_start3A_162, %dma_start3A_163] : memref<10112x16xf32, #tpu.memory_space<vmem_shared>> -> memref<10112x16xf32, #tpu.memory_space<vmem_shared>>
      %dma_start3A_165 = tpu.memref_slice %arg13[%rem3A_113] : memref<2x!tpu.dma_semaphore, #tpu.memory_space<semaphore_mem>> -> memref<1x!tpu.dma_semaphore, #tpu.memory_space<semaphore_mem>>
      %dma_start3A_166 = tpu.memref_squeeze %dma_start3A_165 : memref<1x!tpu.dma_semaphore, #tpu.memory_space<semaphore_mem>> -> memref<!tpu.dma_semaphore, #tpu.memory_space<semaphore_mem>>
      tpu.enqueue_indirect_dma source(%dma_start3A_158 : memref<128x16xf32, #tpu.memory_space<vmem>>) target(%dma_start3A_164 : memref<10112x16xf32, #tpu.memory_space<vmem_shared>>) offsets(%dma_start3A_161 : memref<128xi32, #tpu.memory_space<vmem>>) semaphore(%dma_start3A_166 : memref<!tpu.dma_semaphore, #tpu.memory_space<semaphore_mem>>) {add = true}
    }
    %scan3A_76 = arith.constant 78 : i32
    %dma_wait3A_77 = arith.constant 0 : i32
    %dma_wait3A_78 = arith.constant 78 : i32
    %dma_wait3A_79 = arith.constant 0 : i32
    %dma_wait3A_80 = arith.constant 0 : i32
    %dma_wait3A_81 = arith.constant 0 : i32
    %dma_wait3A_82 = tpu.memref_slice %arg8[%dma_wait3A_77, %dma_wait3A_80, %dma_wait3A_81] : memref<2x128x16xf32, #tpu.memory_space<vmem>> -> memref<1x128x16xf32, #tpu.memory_space<vmem>>
    %dma_wait3A_83 = tpu.memref_squeeze %dma_wait3A_82 : memref<1x128x16xf32, #tpu.memory_space<vmem>> -> memref<128x16xf32, #tpu.memory_space<vmem>>
    %dma_wait3A_84 = arith.constant 0 : i32
    %dma_wait3A_85 = tpu.memref_slice %arg7[%dma_wait3A_78, %dma_wait3A_84] : memref<80x128xi32, #tpu.memory_space<vmem>> -> memref<1x128xi32, #tpu.memory_space<vmem>>
    %dma_wait3A_86 = tpu.memref_squeeze %dma_wait3A_85 : memref<1x128xi32, #tpu.memory_space<vmem>> -> memref<128xi32, #tpu.memory_space<vmem>>
    %dma_wait3A_87 = arith.constant 0 : i32
    %dma_wait3A_88 = arith.constant 0 : i32
    %dma_wait3A_89 = tpu.memref_slice %arg11[%dma_wait3A_87, %dma_wait3A_88] : memref<10112x16xf32, #tpu.memory_space<vmem_shared>> -> memref<10112x16xf32, #tpu.memory_space<vmem_shared>>
    %dma_wait3A_90 = tpu.memref_slice %arg13[%dma_wait3A_79] : memref<2x!tpu.dma_semaphore, #tpu.memory_space<semaphore_mem>> -> memref<1x!tpu.dma_semaphore, #tpu.memory_space<semaphore_mem>>
    %dma_wait3A_91 = tpu.memref_squeeze %dma_wait3A_90 : memref<1x!tpu.dma_semaphore, #tpu.memory_space<semaphore_mem>> -> memref<!tpu.dma_semaphore, #tpu.memory_space<semaphore_mem>>
    tpu.wait_indirect_dma semaphore(%dma_wait3A_91 : memref<!tpu.dma_semaphore, #tpu.memory_space<semaphore_mem>>) src(%dma_wait3A_83 : memref<128x16xf32, #tpu.memory_space<vmem>>) dst(%dma_wait3A_89 : memref<10112x16xf32, #tpu.memory_space<vmem_shared>>)
    %dma_wait3A_92 = arith.constant 79 : i32
    %dma_wait3A_93 = arith.constant 1 : i32
    %dma_wait3A_94 = arith.constant 1 : i32
    %dma_wait3A_95 = arith.constant 0 : i32
    %dma_wait3A_96 = arith.constant 0 : i32
    %dma_wait3A_97 = tpu.memref_slice %arg8[%dma_wait3A_93, %dma_wait3A_95, %dma_wait3A_96] : memref<2x128x16xf32, #tpu.memory_space<vmem>> -> memref<1x128x16xf32, #tpu.memory_space<vmem>>
    %dma_wait3A_98 = tpu.memref_squeeze %dma_wait3A_97 : memref<1x128x16xf32, #tpu.memory_space<vmem>> -> memref<128x16xf32, #tpu.memory_space<vmem>>
    %dma_wait3A_99 = arith.constant 0 : i32
    %dma_wait3A_100 = tpu.memref_slice %arg6[%dma_wait3A_92, %dma_wait3A_99] : memref<80x128xi32, #tpu.memory_space<vmem>> -> memref<1x128xi32, #tpu.memory_space<vmem>>
    %dma_wait3A_101 = tpu.memref_squeeze %dma_wait3A_100 : memref<1x128xi32, #tpu.memory_space<vmem>> -> memref<128xi32, #tpu.memory_space<vmem>>
    %dma_wait3A_102 = arith.constant 0 : i32
    %dma_wait3A_103 = arith.constant 0 : i32
    %dma_wait3A_104 = tpu.memref_slice %arg10[%dma_wait3A_102, %dma_wait3A_103] : memref<10112x16xf32, #tpu.memory_space<vmem_shared>> -> memref<10112x16xf32, #tpu.memory_space<vmem_shared>>
    %dma_wait3A_105 = tpu.memref_slice %arg12[%dma_wait3A_94] : memref<2x!tpu.dma_semaphore, #tpu.memory_space<semaphore_mem>> -> memref<1x!tpu.dma_semaphore, #tpu.memory_space<semaphore_mem>>
    %dma_wait3A_106 = tpu.memref_squeeze %dma_wait3A_105 : memref<1x!tpu.dma_semaphore, #tpu.memory_space<semaphore_mem>> -> memref<!tpu.dma_semaphore, #tpu.memory_space<semaphore_mem>>
    tpu.wait_indirect_dma semaphore(%dma_wait3A_106 : memref<!tpu.dma_semaphore, #tpu.memory_space<semaphore_mem>>) src(%dma_wait3A_104 : memref<10112x16xf32, #tpu.memory_space<vmem_shared>>) dst(%dma_wait3A_98 : memref<128x16xf32, #tpu.memory_space<vmem>>)
    %barrier3A_107 = arith.constant 0 : index
    tpu.barrier barrier_id(%barrier3A_107)
    %mul3A_108 = arith.constant 632 : i32
    %mul3A_109 = arith.muli %arg1, %mul3A_108 : i32
    %mul3A_110 = arith.constant 632 : i32
    %mul3A_111 = arith.muli %arg1, %mul3A_110 : i32
    "tpu.region"() ({
      %run_scoped3A = tpu.sem_alloc : memref<!tpu.dma_semaphore, #tpu.memory_space<semaphore_mem>>
      %dma_start3A_112 = arith.constant 0 : i32
      %dma_start3A_113 = tpu.memref_slice %arg5[%arg0, %mul3A_111, %dma_start3A_112] : memref<2x10112x16xf32, #tpu.memory_space<hbm>> -> memref<1x632x16xf32, #tpu.memory_space<hbm>>
      %dma_start3A_114 = tpu.memref_squeeze %dma_start3A_113 : memref<1x632x16xf32, #tpu.memory_space<hbm>> -> memref<632x16xf32, #tpu.memory_space<hbm>>
      %dma_start3A_115 = arith.constant 0 : i32
      %dma_start3A_116 = tpu.memref_slice %arg11[%mul3A_109, %dma_start3A_115] : memref<10112x16xf32, #tpu.memory_space<vmem_shared>> -> memref<632x16xf32, #tpu.memory_space<vmem_shared>>
      tpu.enqueue_dma source(%dma_start3A_116 : memref<632x16xf32, #tpu.memory_space<vmem_shared>>) target(%dma_start3A_114 : memref<632x16xf32, #tpu.memory_space<hbm>>) target_semaphore(%run_scoped3A : memref<!tpu.dma_semaphore, #tpu.memory_space<semaphore_mem>>)
      %dma_wait3A_117 = arith.constant 0 : i32
      %dma_wait3A_118 = tpu.memref_slice %arg5[%arg0, %mul3A_111, %dma_wait3A_117] : memref<2x10112x16xf32, #tpu.memory_space<hbm>> -> memref<1x632x16xf32, #tpu.memory_space<hbm>>
      %dma_wait3A_119 = tpu.memref_squeeze %dma_wait3A_118 : memref<1x632x16xf32, #tpu.memory_space<hbm>> -> memref<632x16xf32, #tpu.memory_space<hbm>>
      %dma_wait3A_120 = arith.constant 0 : i32
      %dma_wait3A_121 = tpu.memref_slice %arg11[%mul3A_109, %dma_wait3A_120] : memref<10112x16xf32, #tpu.memory_space<vmem_shared>> -> memref<632x16xf32, #tpu.memory_space<vmem_shared>>
      tpu.wait_dma2 semaphore(%run_scoped3A : memref<!tpu.dma_semaphore, #tpu.memory_space<semaphore_mem>>) src(%dma_wait3A_121 : memref<632x16xf32, #tpu.memory_space<vmem_shared>>) dst(%dma_wait3A_119 : memref<632x16xf32, #tpu.memory_space<hbm>>)
      tpu.yield
    }) : () -> ()
    return
  }
}

module attributes {stable_mosaic.version = 14 : i64} {
  func.func @_tc_pre_body(%arg0: memref<1264x1024xf32, #tpu.memory_space<vmem>>, %arg1: memref<1024x128xf32, #tpu.memory_space<vmem>>, %arg2: memref<2x1264x8xf32, #tpu.memory_space<vmem>>, %arg3: memref<8x128xf32, #tpu.memory_space<vmem>>, %arg4: memref<1264x128xf32, #tpu.memory_space<vmem>>, %arg5: memref<1264x128xf32, #tpu.memory_space<vmem>>) attributes {dimension_semantics = [], scalar_prefetch = 0 : i64, scratch_operands = 0 : i64, tpu.core_type = #tpu.core_type<tc>} {
    %get3A = arith.constant 0 : index
    %get3A_0 = arith.constant 0 : index
    %get3A_1 = vector.load %arg0[%get3A, %get3A_0] : memref<1264x1024xf32, #tpu.memory_space<vmem>>, vector<1264x1024xf32>
    %get3A_2 = arith.constant 0 : index
    %get3A_3 = arith.constant 0 : index
    %get3A_4 = vector.load %arg1[%get3A_2, %get3A_3] : memref<1024x128xf32, #tpu.memory_space<vmem>>, vector<1024x128xf32>
    %dot_general3A = arith.constant dense<0.000000e+00> : vector<1264x128xf32>
    %dot_general3A_5 = tpu.matmul %get3A_1, %get3A_4, %dot_general3A {dimension_numbers = #tpu.dot_dimension_numbers<[1], [0], [0], [1], [0, 0, 1, 1], [], []>, transpose_lhs_hint = false} : vector<1264x1024xf32>, vector<1024x128xf32>, vector<1264x128xf32> -> vector<1264x128xf32>
    %get3A_6 = arith.constant 0 : index
    %get3A_7 = arith.constant 0 : index
    %get3A_8 = arith.constant 0 : index
    %get3A_9 = vector.load %arg2[%get3A_6, %get3A_7, %get3A_8] : memref<2x1264x8xf32, #tpu.memory_space<vmem>>, vector<1x1264x8xf32>
    %get3A_10 = vector.shape_cast %get3A_9 : vector<1x1264x8xf32> to vector<1264x8xf32>
    %get3A_11 = arith.constant 1 : index
    %get3A_12 = arith.constant 0 : index
    %get3A_13 = arith.constant 0 : index
    %get3A_14 = vector.load %arg2[%get3A_11, %get3A_12, %get3A_13] : memref<2x1264x8xf32, #tpu.memory_space<vmem>>, vector<1x1264x8xf32>
    %get3A_15 = vector.shape_cast %get3A_14 : vector<1x1264x8xf32> to vector<1264x8xf32>
    %add3A = arith.addf %get3A_10, %get3A_15 : vector<1264x8xf32>
    %add3A_16 = arith.constant 1.000000e+00 : f32
    %add3A_17 = vector.broadcast %add3A_16 : f32 to vector<1264x8xf32>
    %add3A_18 = arith.addf %add3A, %add3A_17 : vector<1264x8xf32>
    %rsqrt3A = math.rsqrt %add3A_18 : vector<1264x8xf32>
    %get3A_19 = arith.constant 0 : index
    %get3A_20 = arith.constant 0 : index
    %get3A_21 = vector.load %arg3[%get3A_19, %get3A_20] : memref<8x128xf32, #tpu.memory_space<vmem>>, vector<8x128xf32>
    %dot_general3A_22 = arith.constant dense<0.000000e+00> : vector<1264x128xf32>
    %dot_general3A_23 = tpu.matmul %rsqrt3A, %get3A_21, %dot_general3A_22 {dimension_numbers = #tpu.dot_dimension_numbers<[1], [0], [0], [1], [0, 0, 1, 1], [], []>, transpose_lhs_hint = false} : vector<1264x8xf32>, vector<8x128xf32>, vector<1264x128xf32> -> vector<1264x128xf32>
    %swap3A = arith.constant 0 : index
    %swap3A_24 = arith.constant 0 : index
    %swap3A_25 = vector.load %arg5[%swap3A, %swap3A_24] : memref<1264x128xf32, #tpu.memory_space<vmem>>, vector<1264x128xf32>
    tpu.vector_store %arg5[%swap3A, %swap3A_24], %dot_general3A_23 {strides = array<i32>} : memref<1264x128xf32, #tpu.memory_space<vmem>>, vector<1264x128xf32>,
    %mul3A = arith.mulf %dot_general3A_5, %dot_general3A_23 : vector<1264x128xf32>
    %swap3A_26 = arith.constant 0 : index
    %swap3A_27 = arith.constant 0 : index
    %swap3A_28 = vector.load %arg4[%swap3A_26, %swap3A_27] : memref<1264x128xf32, #tpu.memory_space<vmem>>, vector<1264x128xf32>
    tpu.vector_store %arg4[%swap3A_26, %swap3A_27], %mul3A {strides = array<i32>} : memref<1264x128xf32, #tpu.memory_space<vmem>>, vector<1264x128xf32>,
    return
  }
}

module attributes {stable_mosaic.version = 14 : i64} {
  func.func @_tc_mid_body(%arg0: memref<2x1264x128xf32, #tpu.memory_space<vmem>>, %arg1: memref<1264x128xf32, #tpu.memory_space<vmem>>, %arg2: memref<1264x128xf32, #tpu.memory_space<vmem>>, %arg3: memref<1x128xf32, #tpu.memory_space<vmem>>, %arg4: memref<1264x128xf32, #tpu.memory_space<vmem>>) attributes {dimension_semantics = [], scalar_prefetch = 0 : i64, scratch_operands = 0 : i64, tpu.core_type = #tpu.core_type<tc>} {
    %get3A = arith.constant 0 : index
    %get3A_0 = arith.constant 0 : index
    %get3A_1 = arith.constant 0 : index
    %get3A_2 = vector.load %arg0[%get3A, %get3A_0, %get3A_1] : memref<2x1264x128xf32, #tpu.memory_space<vmem>>, vector<1x1264x128xf32>
    %get3A_3 = vector.shape_cast %get3A_2 : vector<1x1264x128xf32> to vector<1264x128xf32>
    %get3A_4 = arith.constant 1 : index
    %get3A_5 = arith.constant 0 : index
    %get3A_6 = arith.constant 0 : index
    %get3A_7 = vector.load %arg0[%get3A_4, %get3A_5, %get3A_6] : memref<2x1264x128xf32, #tpu.memory_space<vmem>>, vector<1x1264x128xf32>
    %get3A_8 = vector.shape_cast %get3A_7 : vector<1x1264x128xf32> to vector<1264x128xf32>
    %add3A = arith.addf %get3A_3, %get3A_8 : vector<1264x128xf32>
    %get3A_9 = arith.constant 0 : index
    %get3A_10 = arith.constant 0 : index
    %get3A_11 = vector.load %arg1[%get3A_9, %get3A_10] : memref<1264x128xf32, #tpu.memory_space<vmem>>, vector<1264x128xf32>
    %add3A_12 = arith.addf %add3A, %get3A_11 : vector<1264x128xf32>
    %get3A_13 = arith.constant 0 : index
    %get3A_14 = arith.constant 0 : index
    %get3A_15 = vector.load %arg2[%get3A_13, %get3A_14] : memref<1264x128xf32, #tpu.memory_space<vmem>>, vector<1264x128xf32>
    %mul3A = arith.mulf %add3A_12, %get3A_15 : vector<1264x128xf32>
    %get3A_16 = arith.constant 0 : index
    %get3A_17 = arith.constant 0 : index
    %get3A_18 = vector.load %arg3[%get3A_16, %get3A_17] : memref<1x128xf32, #tpu.memory_space<vmem>>, vector<1x128xf32>
    %add3A_19 = vector.broadcast %get3A_18 : vector<1x128xf32> to vector<1264x128xf32>
    %add3A_20 = arith.addf %mul3A, %add3A_19 : vector<1264x128xf32>
    %max3A = arith.constant 0.000000e+00 : f32
    %max3A_21 = vector.broadcast %max3A : f32 to vector<1264x128xf32>
    %max3A_22 = arith.maximumf %add3A_20, %max3A_21 : vector<1264x128xf32>
    %get3A_23 = arith.constant 0 : index
    %get3A_24 = arith.constant 0 : index
    %get3A_25 = vector.load %arg2[%get3A_23, %get3A_24] : memref<1264x128xf32, #tpu.memory_space<vmem>>, vector<1264x128xf32>
    %mul3A_26 = arith.mulf %max3A_22, %get3A_25 : vector<1264x128xf32>
    %swap3A = arith.constant 0 : index
    %swap3A_27 = arith.constant 0 : index
    %swap3A_28 = vector.load %arg4[%swap3A, %swap3A_27] : memref<1264x128xf32, #tpu.memory_space<vmem>>, vector<1264x128xf32>
    tpu.vector_store %arg4[%swap3A, %swap3A_27], %mul3A_26 {strides = array<i32>} : memref<1264x128xf32, #tpu.memory_space<vmem>>, vector<1264x128xf32>,
    return
  }
}

module attributes {stable_mosaic.version = 14 : i64} {
  func.func @_tc_post_body(%arg0: memref<2x1264x128xf32, #tpu.memory_space<vmem>>, %arg1: memref<1264x128xf32, #tpu.memory_space<vmem>>, %arg2: memref<1264x128xf32, #tpu.memory_space<vmem>>, %arg3: memref<128x1024xf32, #tpu.memory_space<vmem>>, %arg4: memref<1x1024xf32, #tpu.memory_space<vmem>>, %arg5: memref<1264x1024xf32, #tpu.memory_space<vmem>>) attributes {dimension_semantics = [], scalar_prefetch = 0 : i64, scratch_operands = 0 : i64, tpu.core_type = #tpu.core_type<tc>} {
    %get3A = arith.constant 0 : index
    %get3A_0 = arith.constant 0 : index
    %get3A_1 = arith.constant 0 : index
    %get3A_2 = vector.load %arg0[%get3A, %get3A_0, %get3A_1] : memref<2x1264x128xf32, #tpu.memory_space<vmem>>, vector<1x1264x128xf32>
    %get3A_3 = vector.shape_cast %get3A_2 : vector<1x1264x128xf32> to vector<1264x128xf32>
    %get3A_4 = arith.constant 1 : index
    %get3A_5 = arith.constant 0 : index
    %get3A_6 = arith.constant 0 : index
    %get3A_7 = vector.load %arg0[%get3A_4, %get3A_5, %get3A_6] : memref<2x1264x128xf32, #tpu.memory_space<vmem>>, vector<1x1264x128xf32>
    %get3A_8 = vector.shape_cast %get3A_7 : vector<1x1264x128xf32> to vector<1264x128xf32>
    %add3A = arith.addf %get3A_3, %get3A_8 : vector<1264x128xf32>
    %get3A_9 = arith.constant 0 : index
    %get3A_10 = arith.constant 0 : index
    %get3A_11 = vector.load %arg1[%get3A_9, %get3A_10] : memref<1264x128xf32, #tpu.memory_space<vmem>>, vector<1264x128xf32>
    %add3A_12 = arith.addf %add3A, %get3A_11 : vector<1264x128xf32>
    %get3A_13 = arith.constant 0 : index
    %get3A_14 = arith.constant 0 : index
    %get3A_15 = vector.load %arg2[%get3A_13, %get3A_14] : memref<1264x128xf32, #tpu.memory_space<vmem>>, vector<1264x128xf32>
    %mul3A = arith.mulf %add3A_12, %get3A_15 : vector<1264x128xf32>
    %get3A_16 = arith.constant 0 : index
    %get3A_17 = arith.constant 0 : index
    %get3A_18 = vector.load %arg3[%get3A_16, %get3A_17] : memref<128x1024xf32, #tpu.memory_space<vmem>>, vector<128x1024xf32>
    %dot_general3A = arith.constant dense<0.000000e+00> : vector<1264x1024xf32>
    %dot_general3A_19 = tpu.matmul %mul3A, %get3A_18, %dot_general3A {dimension_numbers = #tpu.dot_dimension_numbers<[1], [0], [0], [1], [0, 0, 1, 1], [], []>, transpose_lhs_hint = false} : vector<1264x128xf32>, vector<128x1024xf32>, vector<1264x1024xf32> -> vector<1264x1024xf32>
    %get3A_20 = arith.constant 0 : index
    %get3A_21 = arith.constant 0 : index
    %get3A_22 = vector.load %arg4[%get3A_20, %get3A_21] : memref<1x1024xf32, #tpu.memory_space<vmem>>, vector<1x1024xf32>
    %add3A_23 = vector.broadcast %get3A_22 : vector<1x1024xf32> to vector<1264x1024xf32>
    %add3A_24 = arith.addf %dot_general3A_19, %add3A_23 : vector<1264x1024xf32>
    %max3A = arith.constant 0.000000e+00 : f32
    %max3A_25 = vector.broadcast %max3A : f32 to vector<1264x1024xf32>
    %max3A_26 = arith.maximumf %add3A_24, %max3A_25 : vector<1264x1024xf32>
    %swap3A = arith.constant 0 : index
    %swap3A_27 = arith.constant 0 : index
    %swap3A_28 = vector.load %arg5[%swap3A, %swap3A_27] : memref<1264x1024xf32, #tpu.memory_space<vmem>>, vector<1264x1024xf32>
    tpu.vector_store %arg5[%swap3A, %swap3A_27], %max3A_26 {strides = array<i32>} : memref<1264x1024xf32, #tpu.memory_space<vmem>>, vector<1264x1024xf32>,
    return
  }
}

</mosaic_0001>

<sc_bundles>
// kernel: kernel.11.cloned.1.call-start
scs
__scs_entry_jumppad:
0x0: {  	(pc) =	sbr.rel $0x88, $3  }
0x1: {  	(tag) =	ssettag $0x0;
	lr =	simm.s32 $0x1  }
0x2: {  	[smem:$0x3F9B] =	sst lr;
	_ =	strace $0xD0000000  }
0x3: {  	_ = 	snop  }
0x4: {  	_ = 	snop  }
0x5: {  	_ = 	snop  }
0x6: {  	_ = 	snop  }
0x7: {  	_ = 	snop  }
__scs_overlays_trampoline_lowered:
0x8: {  	[smem:$0x3FAA] =	sst s0  }
0x9: {  	[smem:$0x3FAB] =	sst s1  }
0xa: {  	[smem:$0x3FAC] =	sst s2  }
0xb: {  	[smem:$0x3FAD] =	sst s3  }
0xc: {  	[smem:$0x3FAE] =	sst s4  }
0xd: {  	[smem:$0x3FAF] =	sst s5  }
0xe: {  	[smem:$0x3FB0] =	sst s6  }
0xf: {  	[smem:$0x3FB1] =	sst s7  }
0x10: {  	[smem:$0x3FB2] =	sst s8  }
0x11: {  	[smem:$0x3FB3] =	sst s9;
	s0 =	simm.s32 @!p0 $0x0  }
0x12: {  	s1 =	sld [smem:$0x3F99];
	s0 =	simm.s32 @p0 $0x1  }
0x13: {  	[smem:$0x3FB4] =	sst s0;
	s0 =	simm.s32 @!p1 $0x0  }
0x14: {  	s2 =	sld [smem:$0x3F98];
	s0 =	simm.s32 @p1 $0x1  }
0x15: {  	[smem:$0x3FB5] =	sst s0;
	s0 =	simm.s32 @!p2 $0x0  }
0x16: {  	s3 =	sld [smem:$0x3FDB];
	s0 =	simm.s32 @p2 $0x1  }
0x17: {  	s4 =	simm.s32 $0x1BF5;
	[smem:$0x3FB7] =	sst s0  }
0x18: {  	s0 =	sld [smem:$0x3F9A];
	_ =	swait.ge [sflag:s4], $0x0  }
0x19: {  	s7 =	sld [smem:$0x3F9B]  }
0x1a: {  	s8 =	sadd.s32 $0xFFFFE003, lr  }
0x1b: {  	s9 =	sadd.s32 $0xFFFFFEF7, lr;
	s5 =	simm.s32 $0xFFFFFFFF;
	p2 =	slt.u32 s8, $0xFFFFF086  }
0x1c: {  	p1 =	slt.u32 s9, $0xF7A;
	s5 =	simm.s32 @!p2 $0x0  }
0x1d: {  	s5 =	simm.s32 @p1 $0x1;
	p0 =	seq.s32 s7, s2  }
0x1e: {  	s7 =	smul.u32 @!p0 $0xF7A, s2;
	p2 =	seq.s32 @!p0 s5, $0x0  }
0x1f: {  	s9 =	smul.u32 $0xF7A, s1;
	s8 =	simm.s32 @!p0 $0x1BF5;
	p2 =	por !p2, p0  }
0x20: {  	[sflag:s8] =	ssyncset.s32 @!p0 $0xFFFFF086;
	s6 =	sadd.s32 @!p0 s3, s7;
	s7 =	simm.s32 @!p0 $0x108  }
0x21: {  	s3 =	sadd.s32 s3, s9;
	s6 =	sadd.s32 @!p0 $0x88, s6;
	s7 =	simm.s32 @p2 $0x1082  }
0x22: {  	[simem:s7], [sflag:s8] =	dma.local @!p0 [hbm:s6], $0xF7A  }
0x23: {  	s9 =	sor.u32 $0xD0000000, s2;
	s6 =	simm.s32 $0x108;
	_ =	swait.ge @!p0 [sflag:s8], $0x0  }
0x24: {  	s3 =	sadd.s32 $0x88, s3;
	s6 =	simm.s32 @!p1 $0x1082;
	[sflag:s4] =	ssyncset.s32 $0xFFFFF086  }
0x25: {  	[simem:s6], [sflag:s4] =	dma.local [hbm:s3], $0xF7A  }
0x26: {  	[smem:$0x3F9B] =	sst s1;
	(tag) =	ssettag s2;
	_ =	strace s9  }
0x27: {  	s1 =	sld [smem:$0x3FAB]  }
0x28: {  	s2 =	sld [smem:$0x3FAC]  }
0x29: {  	s4 =	sld [smem:$0x3FAE]  }
0x2a: {  	p0 =	seq.s32 s5, $0x0;
	s5 =	sld [smem:$0x3FAF]  }
0x2b: {  	s6 =	sld [smem:$0x3FB0]  }
0x2c: {  	s7 =	sld [smem:$0x3FB1]  }
0x2d: {  	s3 =	simm.s32 $0x108;
	s8 =	sld [smem:$0x3FB2]  }
0x2e: {  	s3 =	simm.s32 @!p0 $0x1082;
	s9 =	sld [smem:$0x3FB3]  }
0x2f: {  	lr =	sadd.s32 s0, s3;
	s0 =	sld [smem:$0x3FAA]  }
0x30: {  	s3 =	sld [smem:$0x3FAD]  }
0x31: {  	[smem:$0x3FB6] =	sst s10  }
0x32: {  	s10 =	sld [smem:$0x3FB4];
	_ =	sdelay $0x3  }
0x33: {  	p0 =	seq.s32 s10, $0x1;
	s10 =	sld [smem:$0x3FB6];
	_ =	sdelay $0x3  }
0x34: {  	[smem:$0x3FB6] =	sst s10  }
0x35: {  	s10 =	sld [smem:$0x3FB5];
	_ =	sdelay $0x3  }
0x36: {  	p1 =	seq.s32 s10, $0x1;
	s10 =	sld [smem:$0x3FB6];
	_ =	sdelay $0x3  }
0x37: {  	[smem:$0x3FB6] =	sst s10  }
0x38: {  	s10 =	sld [smem:$0x3FB7]  }
0x39: {  	_ = 	snop;
	(pc) =	sbr.ind lr, $3  }
0x3a: {  	_ = 	snop  }
0x3b: {  	_ = 	snop  }
0x3c: {  	p2 =	seq.s32 s10, $0x1;
	s10 =	sld [smem:$0x3FB6]  }
0x3d: {  	_ =	shalt  }
0x3e: {  	_ =	shalt  }
0x3f: {  	_ =	shalt  }
0x40: {  	_ =	shalt  }
0x41: {  	_ =	shalt  }
0x42: {  	_ =	shalt  }
0x43: {  	_ =	shalt  }
0x44: {  	_ =	shalt  }
0x45: {  	_ =	shalt  }
0x46: {  	_ =	shalt  }
0x47: {  	_ =	shalt  }
0x48: {  	_ =	shalt  }
0x49: {  	_ =	shalt  }
0x4a: {  	_ =	shalt  }
0x4b: {  	_ =	shalt  }
0x4c: {  	_ =	shalt  }
0x4d: {  	_ =	shalt  }
0x4e: {  	_ =	shalt  }
0x4f: {  	_ =	shalt  }
0x50: {  	_ =	shalt  }
0x51: {  	_ =	shalt  }
0x52: {  	_ =	shalt  }
0x53: {  	_ =	shalt  }
0x54: {  	_ =	shalt  }
0x55: {  	_ =	shalt  }
0x56: {  	_ =	shalt  }
0x57: {  	_ =	shalt  }
0x58: {  	_ =	shalt  }
0x59: {  	_ =	shalt  }
0x5a: {  	_ =	shalt  }
0x5b: {  	_ =	shalt  }
0x5c: {  	_ =	shalt  }
0x5d: {  	_ =	shalt  }
0x5e: {  	_ =	shalt  }
0x5f: {  	_ =	shalt  }
0x60: {  	_ =	shalt  }
0x61: {  	_ =	shalt  }
0x62: {  	_ =	shalt  }
0x63: {  	_ =	shalt  }
0x64: {  	_ =	shalt  }
0x65: {  	_ =	shalt  }
0x66: {  	_ =	shalt  }
0x67: {  	_ =	shalt  }
0x68: {  	_ =	shalt  }
0x69: {  	_ =	shalt  }
0x6a: {  	_ =	shalt  }
0x6b: {  	_ =	shalt  }
0x6c: {  	_ =	shalt  }
0x6d: {  	_ =	shalt  }
0x6e: {  	_ =	shalt  }
0x6f: {  	_ =	shalt  }
0x70: {  	_ =	shalt  }
0x71: {  	_ =	shalt  }
0x72: {  	_ =	shalt  }
0x73: {  	_ =	shalt  }
0x74: {  	_ =	shalt  }
0x75: {  	_ =	shalt  }
0x76: {  	_ =	shalt  }
0x77: {  	_ =	shalt  }
0x78: {  	_ =	shalt  }
0x79: {  	_ =	shalt  }
0x7a: {  	_ =	shalt  }
0x7b: {  	_ =	shalt  }
0x7c: {  	_ =	shalt  }
0x7d: {  	_ =	shalt  }
0x7e: {  	_ =	shalt  }
0x7f: {  	_ =	shalt  }
0x80: {  	_ =	shalt  }
0x81: {  	_ =	shalt  }
0x82: {  	_ =	shalt  }
0x83: {  	_ =	shalt  }
0x84: {  	_ =	shalt  }
0x85: {  	_ =	shalt  }
0x86: {  	_ =	shalt  }
0x87: {  	_ =	shalt  }
.Lfunc_end0:
.L_simem_size_0:
called_computation.1_lowered:
.L_overlay_start_0:
0x88: {  	s2 =	sld [smem:$0x3FD9]  }
0x89: {  	s3 =	sld [smem:$0x3FFE];
	_ =	sdelay $0x1  }
0x8a: {  	s1 =	srdreg.scid  }
0x8b: {  	s0 =	sand.u32 $0x1, s1  }
0x8c: {  	s17 =	sshll.u32 s0, $0xA;
	s2 =	sadd.s32 s3, s2  }
0x8d: {  	s2 =	sadd.s32 s2, s17  }
0x8e: {  	[smem:$0x3FC2] =	sst s2  }
0x8f: {  	_ = 	snop  }
0x90: {  	s2 =	sld [smem:$0x3FD0];
	(tm) =	ssettm $0x1  }
0x91: {  	s18 =	sld [smem:$0x3FFB];
	_ =	sdelay $0x3  }
0x92: {  	_ =	strace s18  }
0x93: {  	s3 =	sld [smem:$0x3FFC];
	_ =	sdelay $0x3  }
0x94: {  	_ =	strace s3  }
0x95: {  	s3 =	sld [smem:$0x3FFD];
	_ =	sdelay $0x3  }
0x96: {  	_ =	strace s3  }
0x97: {  	_ =	strace $0x8FFFFFFF  }
0x98: {  	s19 =	sld [smem:$0x3FDB];
	_ =	sdelay $0x1  }
0x99: {  	s4 =	simm.s32 $_scs_section_size  }
0x9a: {  	s5 =	simm.s32 $_size__tile_overlayer_lowered;
	s6 =	simm.s32 $_tile_overlayer_lowered  }
0x9b: {  	s22 =	simm.s32 $0x1BFF;
	s21 =	sshll.u32 s6, $0x1;
	s3 =	sadd.s32 s4, s19  }
0x9c: {  	s7 =	simm.s32 $0x0;
	s20 =	sshll.u32 s5, $0x1;
	s5 =	sadd.s32 s21, s3  }
0x9d: {  	[timem:s7], [sflag:s22] =	dma.local [hbm:s5], s20  }
0x9e: {  	_ =	swait.ge [sflag:s22], s20  }
0x9f: {  	s4 =	ssub.s32 $0x0, s20;
	[sflag:s22] =	ssyncset.done $0x0  }
0xa0: {  	[sflag:s22] =	ssyncadd.s32 s4;
	_ =	sdelay $0x1  }
0xa1: {  	s23 =	simm.s32 $0x1B8B  }
0xa2: {  	_ =	swait.ge [sflag:s23], $0x1  }
0xa3: {  	[sflag:s23] =	ssyncset.done $0x0  }
0xa4: {  	s25 =	simm.s32 $0x1B8E;
	s24 =	sld [smem:$0x3FFE];
	[sflag:s23] =	ssyncadd.s32 $0xFFFFFFFF  }
0xa5: {  	s26 =	simm.s32 $execute0_lowered;
	[smem:$0x3FD2] =	sst s25  }
0xa6: {  	s5 =	sshll.u32 s26, $0x1;
	_ =	strace $0x80000049;
	[dreg:$0x1] =	wrdreg $0xFFFFFFFF  }
0xa7: {  	s28 =	simm.s32 $_size_execute0_lowered;
	s3 =	sadd.s32 s3, s5;
	[dreg:$0x0] =	wrdreg $0x0  }
0xa8: {  	s5 =	sshll.u32 s28, $0x1;
	[dreg:$0x2] =	wrdreg s3  }
0xa9: {  	[dreg:$0x3] =	wrdreg s5  }
0xaa: {  	[dreg:$0x4] =	wrdreg $0xC0  }
0xab: {  	_ =	task [dreg:s7], $0x5FFFF  }
0xac: {  	[dreg:$0x1] =	wrdreg $0xFFFFFFFF  }
0xad: {  	[dreg:$0x0] =	wrdreg $0x60  }
0xae: {  	[dreg:$0x2] =	wrdreg s2  }
0xaf: {  	[dreg:$0x3] =	wrdreg s24  }
0xb0: {  	[dreg:$0x4] =	wrdreg $0x87800  }
0xb1: {  	[dreg:$0x5] =	wrdreg $0xAF000  }
0xb2: {  	[dreg:$0x6] =	wrdreg $0x9  }
0xb3: {  	_ =	task.clear_ibuf [dreg:s7], $0x7FFFF;
	_ =	strace $0x90000049  }
0xb4: {  	s29 =	simm.s32 $0x9;
	_ =	strace $0x8000004B  }
0xb5: {  	_ =	swait.ge [sflag:s29], $0x1  }
0xb6: {  	[sflag:s29] =	ssyncadd.s32 $0xFFFFFFFF  }
0xb7: {  	_ =	strace $0x9000004B  }
0xb8: {  	_ =	sfence  }
0xb9: {  	s30 =	sld [smem:$0x0];
	_ =	sdelay $0x2  }
0xba: {  	s31 =	sshll.u32 s1, $0xD;
	s1 =	sshrl.u32 s1, $0x2  }
0xbb: {  	s3 =	sand.u32 $0x4000, s31;
	s1 =	sadd.s32 s1, s30  }
0xbc: {  	s0 =	sor.u32 s3, s0;
	s1 =	sshll.u32 s1, $0x11  }
0xbd: {  	s0 =	sor.u32 s1, s0  }
0xbe: {  	s0 =	sadd.s32 $0x8F2B, s0  }
0xbf: {  	[sflag:s0] =	ssyncadd.remote.s32 $0x1  }
0xc0: {  	_ =	sfence.sel $0xFFFF  }
0xc1: {  	[dreg:$0x0] =	wrdreg $0xFFFFFFFF;
	(pc) =	sbr.abs _section_cstart, $3  }
0xc2: {  	[dreg:$0x1] =	wrdreg $0xFFFFFFFF  }
0xc3: {  	_ =	task.clear_ibuf [dreg:s7], $0x2FFFF;
	_ =	strace $0x9FFFFFFF  }
0xc4: {  	(tm) =	ssettm $0x7FFFFFFF  }
0xc5: {  	_ =	shalt  }
tec
execute0_lowered:
.L_overlay_start_1:
0x0: {  	(tag) =	ssettag $0x1  }
0x1: {  	s5 =	rddreg [dreg:$0x0]  }
0x2: {  	s6 =	rddreg [dreg:$0x1]  }
0x3: {  	s1 =	srdreg.scid;
	s2 =	rddreg [dreg:$0x2]  }
0x4: {  	s0 =	stileid.u32;
	s3 =	rddreg [dreg:$0x3]  }
0x5: {  	s4 =	simm.s32 $0x0;
	s16 =	simm.s32 $0x80;
	s17 =	simm.s32 $0x5000  }
0x6: {  	s18 =	simm.s32 $0x5800;
	s19 =	simm.s32 $0x3;
	s20 =	simm.s32 $0x2  }
0x7: {  	s21 =	simm.s32 $0x0;
	s7 =	sand.u32 $0x1, s1;
	s30 =	sshll.u32 s0, $0x1  }
0x8: {  	s9 =	smul.u32 $0x2780, s0;
	[smem:$0x7FF] =	sst s4;
	s31 =	sshll.u32 s0, $0x6  }
0x9: {  	s1 =	sor.u32 s7, s30;
	s10 =	smul.u32 $0x27800, s7;
	_ =	strace $0x8000004A  }
0xa: {  	s7 =	ssub.s32 $0x2, s7;
	s8 =	smul.u32 $0x500, s1;
	s12 =	sshrl.u32 s9, $0x3  }
0xb: {  	s13 =	sshrl.u32 s7, $0x1;
	s14 =	sadd.s32 s9, s2;
	s10 =	sadd.s32 s9, s10  }
0xc: {  	s12 =	sadd.s32 s12, s6;
	s13 =	ssub.s32 s7, s13;
	s14 =	sshrl.u32 s14, $0x3  }
0xd: {  	s11 =	sadd.s32 s8, s6;
	s10 =	sshrl.u32 s10, $0x3;
	s5 =	sadd.s32 s5, s8  }
0xe: {  	s7 =	sadd.s32 $0xC200, s12;
	s8 =	sadd.s32 s9, s3;
	s12 =	simm.s32 $0x2800  }
0xf: {  	s10 =	sadd.s32 s10, s6;
	s6 =	sadd.s32 $0x2200, s11;
	s11 =	simm.s32 $0x5  }
0x10: {  	v0 =	vimm.f32 $0.0e+00;
	s9 =	sadd.s32 $0x11200, s10;
	s10 =	smax.u32 s13, $0x1;
	s13 =	sor.u32 $0x1C05, s31  }
.LBB2_1:
0x11: {  	[tilespmem:s4], [sflag:$0x5] =	stream.linear.gather [hbm4b:s5+s4], $0x2800, $0x38;
	[tilespmem:$0xD680] =	vst v63  }
0x12: {  	_ =	swait.ge [sflag:s11], $0x2800  }
0x13: {  	[sflag:s11] =	ssyncset.done $0x0  }
0x14: {  	[sflag:s11] =	ssyncadd.s32 $0xFFFFD800  }
0x15: {  	[tilespmem:s12], [sflag:$0x5] =	stream.linear.gather [hbm4b:s6+s4], $0x2800, $0x38;
	[tilespmem:$0xD680] =	vst v63  }
0x16: {  	_ =	swait.ge [sflag:s11], $0x2800  }
0x17: {  	[sflag:s11] =	ssyncset.done $0x0  }
0x18: {  	[sflag:s11] =	ssyncadd.s32 $0xFFFFD800  }
0x19: {  	[spmem:s14], [sflag:s13] =	dma.local [hbm:s7], $0x4F0  }
0x1a: {  	_ =	swait.ge [sflag:s11], $0x4F0  }
0x1b: {  	[sflag:s11] =	ssyncset.done $0x0  }
0x1c: {  	s22 =	simm.s32 $0x40;
	s23 =	simm.s32 $0x0;
	[sflag:s11] =	ssyncadd.s32 $0xFFFFFB10  }
.LBB2_2:
0x1d: {  	p0 =	sne.s32 s22, $0x9DC0;
	[tilespmem:s23+$0x6000] =	vst v0;
	s23 =	smov.u32 s22;
	s22 =	sadd.s32 $0x40, s22  }
.Ltmp0:
0x1e: {  	(pc) =	sbr.rel @p0 .LBB2_2-.Ltmp0, $2  }
0x1f: {  	_ =	sdelay $0x2  }
0x20: {  	s23 =	sshra.s32 s23, $0x2  }
0x21: {  	[tilespmem:s23+$0x6000] =	vst v0;
	s0 =	simm.s32 $0x6000  }
0x22: {  	[spmem:s8] =	stream.linear.scatter [tilespmem:s0], [sflag:$0x5], $0x2780, $0x38;
	[tilespmem:$0xD680] =	vst v63  }
0x23: {  	_ =	swait.ge [sflag:s11], $0x2780  }
0x24: {  	[sflag:s11] =	ssyncset.done $0x0  }
0x25: {  	[sflag:s11] =	ssyncadd.s32 $0xFFFFD880  }
0x26: {  	[bflag:$0x0] =	sbarrier.arrive $0xFFFF  }
0x27: {  	[tilespmem:s17], [sflag:$0x1] =	stream.indirect.gather [spmem:s2], $0x10, s4, s16, $0xb8;
	[tilespmem:$0xD680] =	vst v63  }
0x28: {  	s22 =	simm.s32 $0x1  }
0x29: {  	[tilespmem:s18], [sflag:$0x2] =	stream.indirect.gather [spmem:s2], $0x10, s16, s16, $0xb8;
	[tilespmem:$0xD680] =	vst v63  }
0x2a: {  	s26 =	simm.s32 $0x2880;
	s30 =	sand.u32 $0x1, s22;
	_ =	swait.ge [sflag:s22], $0x800  }
0x2b: {  	s24 =	simm.s32 $0x100;
	s15 =	sxor.u32 $0x1, s30;
	[sflag:s22] =	ssyncset.done $0x0  }
0x2c: {  	s31 =	simm.s32 $0x2;
	s25 =	sadd.s32 $0x3, s15;
	[sflag:s22] =	ssyncadd.s32 $0xFFFFF800  }
0x2d: {  	[spmem:s3] =	stream.indirect.scatter.add.f32 [tilespmem:s17], [sflag:$0x3], $0x10, s12, s16, $0xb8;
	[tilespmem:$0xD680] =	vst v63  }
0x2e: {  	s29 =	sshll.u32 s30, $0xB;
	s28 =	sshll.u32 s15, $0xB;
	_ =	swait.ge [sflag:s25], $0x800  }
0x2f: {  	s23 =	sadd.s32 $0x1, s15;
	s28 =	sor.u32 $0x5000, s28;
	[sflag:s25] =	ssyncset.done $0x0  }
0x30: {  	s22 =	sand.u32 $0x1, s31;
	s31 =	sadd.s32 $0x1, s30;
	[sflag:s25] =	ssyncadd.s32 $0xFFFFF800  }
0x31: {  	[tilespmem:s28], [sflag:s23] =	stream.indirect.gather [spmem:s2], $0x10, s24, s16, $0xb8;
	[tilespmem:$0xD680] =	vst v63  }
0x32: {  	s29 =	sor.u32 $0x5000, s29;
	s30 =	sadd.s32 $0x3, s30;
	_ =	swait.ge [sflag:s31], $0x800  }
0x33: {  	s25 =	simm.s32 $0x180;
	s28 =	simm.s32 $0x3;
	[sflag:s31] =	ssyncset.done $0x0  }
0x34: {  	s24 =	sshll.u32 s22, $0xB;
	s23 =	simm.s32 $0x2900;
	[sflag:s31] =	ssyncadd.s32 $0xFFFFF800  }
.LBB2_4:
0x35: {  	[spmem:s3] =	stream.indirect.scatter.add.f32 [tilespmem:s29], [sflag:s30], $0x10, s26, s16, $0xb8;
	[tilespmem:$0xD680] =	vst v63  }
0x36: {  	s30 =	smov.u32 s22;
	s22 =	smov.u32 s28;
	s29 =	smov.u32 s24  }
0x37: {  	s31 =	sadd.s32 $0x1, s28;
	s22 =	sand.u32 $0x1, s22;
	s1 =	sxor.u32 $0x1, s30  }
0x38: {  	s24 =	sshll.u32 s22, $0xB;
	s0 =	sshll.u32 s1, $0xB;
	s15 =	sadd.s32 $0x3, s1  }
0x39: {  	p0 =	sne.s32 s28, $0x4E;
	s26 =	smov.u32 s23;
	_ =	swait.ge [sflag:s15], $0x800  }
0x3a: {  	s28 =	sadd.s32 $0x1, s30;
	s1 =	sadd.s32 $0x1, s1;
	[sflag:s15] =	ssyncset.done $0x0  }
.Ltmp1:
0x3b: {  	s0 =	sor.u32 $0x5000, s0;
	[sflag:s15] =	ssyncadd.s32 $0xFFFFF800;
	(pc) =	sbr.rel @p0 .LBB2_4-.Ltmp1, $4  }
0x3c: {  	[tilespmem:s0], [sflag:s1] =	stream.indirect.gather [spmem:s2], $0x10, s25, s16, $0xb8;
	[tilespmem:$0xD680] =	vst v63  }
0x3d: {  	s23 =	sadd.s32 $0x80, s23;
	_ =	swait.ge [sflag:s28], $0x800  }
0x3e: {  	s29 =	sor.u32 $0x5000, s29;
	s25 =	sadd.s32 $0x80, s25;
	[sflag:s28] =	ssyncset.done $0x0  }
0x3f: {  	s30 =	sadd.s32 $0x3, s30;
	[sflag:s28] =	ssyncadd.s32 $0xFFFFF800;
	s28 =	smov.u32 s31  }
0x40: {  	[spmem:s3] =	stream.indirect.scatter.add.f32 [tilespmem:s29], [sflag:s30], $0x10, s26, s16, $0xb8;
	[tilespmem:$0xD680] =	vst v63  }
0x41: {  	s0 =	sxor.u32 $0x1, s22  }
0x42: {  	s1 =	sadd.s32 $0x3, s0  }
0x43: {  	_ =	swait.ge [sflag:s1], $0x800  }
0x44: {  	s28 =	sadd.s32 $0x1, s22;
	s15 =	sshll.u32 s0, $0xB;
	[sflag:s1] =	ssyncset.done $0x0  }
0x45: {  	s0 =	sadd.s32 $0x1, s0;
	s15 =	sor.u32 $0x5000, s15;
	[sflag:s1] =	ssyncadd.s32 $0xFFFFF800  }
0x46: {  	[tilespmem:s15], [sflag:s0] =	stream.indirect.gather [spmem:s2], $0x10, s25, s16, $0xb8;
	[tilespmem:$0xD680] =	vst v63  }
0x47: {  	_ =	swait.ge [sflag:s28], $0x800  }
0x48: {  	[sflag:s28] =	ssyncset.done $0x0  }
0x49: {  	s29 =	sor.u32 $0x5000, s24;
	s30 =	sadd.s32 $0x3, s22;
	[sflag:s28] =	ssyncadd.s32 $0xFFFFF800  }
0x4a: {  	[spmem:s3] =	stream.indirect.scatter.add.f32 [tilespmem:s29], [sflag:s30], $0x10, s23, s16, $0xb8;
	[tilespmem:$0xD680] =	vst v63  }
0x4b: {  	_ =	swait.ge [sflag:s19], $0x800  }
0x4c: {  	[sflag:s19] =	ssyncset.done $0x0  }
0x4d: {  	[sflag:s19] =	ssyncadd.s32 $0xFFFFF800  }
0x4e: {  	_ =	swait.ge [sflag:s20], $0x800  }
0x4f: {  	s21 =	sadd.s32 $0x1, s21;
	[sflag:s20] =	ssyncset.done $0x0  }
0x50: {  	p0 =	sne.s32 s21, s10;
	[sflag:s20] =	ssyncadd.s32 $0xFFFFF800  }
.Ltmp2:
0x51: {  	s31 =	sshrl.u32 s8, $0x3;
	[bflag:$0x0] =	sbarrier.arrive $0xFFFF;
	(pc) =	sbr.rel @p0 .LBB2_1-.Ltmp2, $4  }
0x52: {  	[hbm:s9], [sflag:s13] =	dma.local [spmem:s31], $0x4F0  }
0x53: {  	_ =	swait.ge [sflag:s11], $0x4F0  }
0x54: {  	[sflag:s11] =	ssyncset.done $0x0  }
0x55: {  	[sflag:s11] =	ssyncadd.s32 $0xFFFFFB10  }
0x56: {  	_ =	sfence.sel $0x180000  }
0x57: {  	[bflag:$0x0] =	sbarrier.arrive $0xFFFF  }
0x58: {  	_ =	strace $0x9000004A  }
0x59: {  	s0 =	stileid.u32;
	[bflag:$0x2] =	sbarrier.arrive $0xFFFF  }
0x5a: {  	p0 =	sne.s32 s0, $0x0;
	s0 =	rddreg [dreg:$0x4]  }
0x5b: {  	s0 =	sadd.s32 @!p0 $0x100000, s0  }
0x5c: {  	[sflag:s0] =	ssyncadd.tile.s32 @!p0 $0x1;
	_ =	shalt  }
.Lfunc_end2:
_tile_overlayer_lowered:
.L_overlay_start_2:
0x5d: {  	(tag) =	ssettag $0x2  }
0x5e: {  	s0 =	rddreg [dreg:$0x0];
	s2 =	stileid.u32  }
0x5f: {  	s1 =	rddreg [dreg:$0x1];
	p0 =	sne.s32 s2, $0x0  }
0x60: {  	s3 =	rddreg [dreg:$0x2];
	[bflag:$0x3] =	sbarrier.arrive $0xFFFF;
	s2 =	simm.s32 @!p0 $0x1C05  }
0x61: {  	[timem:s3], [sflag:s2] =	dma.local @!p0 [hbm:s0], s1  }
0x62: {  	s0 =	simm.s32 @!p0 $0x5  }
0x63: {  	_ =	swait.ge @!p0 [sflag:s0], s1  }
0x64: {  	s1 =	ssub.s32 @!p0 $0x0, s1;
	[sflag:s0] =	ssyncset.done @!p0 $0x0  }
0x65: {  	[sflag:s0] =	ssyncadd.s32 @!p0 s1  }
0x66: {  	[bflag:$0x3] =	sbarrier.arrive $0xFFFF  }
0x67: {  	_ =	shalt  }

// kernel: kernel.14.cloned.1.call-start
scs
__scs_entry_jumppad:
0x0: {  	(pc) =	sbr.rel $0x88, $3  }
0x1: {  	(tag) =	ssettag $0x0;
	lr =	simm.s32 $0x1  }
0x2: {  	[smem:$0x3F9B] =	sst lr;
	_ =	strace $0xD0000000  }
0x3: {  	_ = 	snop  }
0x4: {  	_ = 	snop  }
0x5: {  	_ = 	snop  }
0x6: {  	_ = 	snop  }
0x7: {  	_ = 	snop  }
__scs_overlays_trampoline_lowered:
0x8: {  	[smem:$0x3FAA] =	sst s0  }
0x9: {  	[smem:$0x3FAB] =	sst s1  }
0xa: {  	[smem:$0x3FAC] =	sst s2  }
0xb: {  	[smem:$0x3FAD] =	sst s3  }
0xc: {  	[smem:$0x3FAE] =	sst s4  }
0xd: {  	[smem:$0x3FAF] =	sst s5  }
0xe: {  	[smem:$0x3FB0] =	sst s6  }
0xf: {  	[smem:$0x3FB1] =	sst s7  }
0x10: {  	[smem:$0x3FB2] =	sst s8  }
0x11: {  	[smem:$0x3FB3] =	sst s9;
	s0 =	simm.s32 @!p0 $0x0  }
0x12: {  	s1 =	sld [smem:$0x3F99];
	s0 =	simm.s32 @p0 $0x1  }
0x13: {  	[smem:$0x3FB4] =	sst s0;
	s0 =	simm.s32 @!p1 $0x0  }
0x14: {  	s2 =	sld [smem:$0x3F98];
	s0 =	simm.s32 @p1 $0x1  }
0x15: {  	[smem:$0x3FB5] =	sst s0;
	s0 =	simm.s32 @!p2 $0x0  }
0x16: {  	s3 =	sld [smem:$0x3FDB];
	s0 =	simm.s32 @p2 $0x1  }
0x17: {  	s4 =	simm.s32 $0x1BF5;
	[smem:$0x3FB7] =	sst s0  }
0x18: {  	s0 =	sld [smem:$0x3F9A];
	_ =	swait.ge [sflag:s4], $0x0  }
0x19: {  	s7 =	sld [smem:$0x3F9B]  }
0x1a: {  	s8 =	sadd.s32 $0xFFFFE003, lr  }
0x1b: {  	s9 =	sadd.s32 $0xFFFFFEF7, lr;
	s5 =	simm.s32 $0xFFFFFFFF;
	p2 =	slt.u32 s8, $0xFFFFF086  }
0x1c: {  	p1 =	slt.u32 s9, $0xF7A;
	s5 =	simm.s32 @!p2 $0x0  }
0x1d: {  	s5 =	simm.s32 @p1 $0x1;
	p0 =	seq.s32 s7, s2  }
0x1e: {  	s7 =	smul.u32 @!p0 $0xF7A, s2;
	p2 =	seq.s32 @!p0 s5, $0x0  }
0x1f: {  	s9 =	smul.u32 $0xF7A, s1;
	s8 =	simm.s32 @!p0 $0x1BF5;
	p2 =	por !p2, p0  }
0x20: {  	[sflag:s8] =	ssyncset.s32 @!p0 $0xFFFFF086;
	s6 =	sadd.s32 @!p0 s3, s7;
	s7 =	simm.s32 @!p0 $0x108  }
0x21: {  	s3 =	sadd.s32 s3, s9;
	s6 =	sadd.s32 @!p0 $0x88, s6;
	s7 =	simm.s32 @p2 $0x1082  }
0x22: {  	[simem:s7], [sflag:s8] =	dma.local @!p0 [hbm:s6], $0xF7A  }
0x23: {  	s9 =	sor.u32 $0xD0000000, s2;
	s6 =	simm.s32 $0x108;
	_ =	swait.ge @!p0 [sflag:s8], $0x0  }
0x24: {  	s3 =	sadd.s32 $0x88, s3;
	s6 =	simm.s32 @!p1 $0x1082;
	[sflag:s4] =	ssyncset.s32 $0xFFFFF086  }
0x25: {  	[simem:s6], [sflag:s4] =	dma.local [hbm:s3], $0xF7A  }
0x26: {  	[smem:$0x3F9B] =	sst s1;
	(tag) =	ssettag s2;
	_ =	strace s9  }
0x27: {  	s1 =	sld [smem:$0x3FAB]  }
0x28: {  	s2 =	sld [smem:$0x3FAC]  }
0x29: {  	s4 =	sld [smem:$0x3FAE]  }
0x2a: {  	p0 =	seq.s32 s5, $0x0;
	s5 =	sld [smem:$0x3FAF]  }
0x2b: {  	s6 =	sld [smem:$0x3FB0]  }
0x2c: {  	s7 =	sld [smem:$0x3FB1]  }
0x2d: {  	s3 =	simm.s32 $0x108;
	s8 =	sld [smem:$0x3FB2]  }
0x2e: {  	s3 =	simm.s32 @!p0 $0x1082;
	s9 =	sld [smem:$0x3FB3]  }
0x2f: {  	lr =	sadd.s32 s0, s3;
	s0 =	sld [smem:$0x3FAA]  }
0x30: {  	s3 =	sld [smem:$0x3FAD]  }
0x31: {  	[smem:$0x3FB6] =	sst s10  }
0x32: {  	s10 =	sld [smem:$0x3FB4];
	_ =	sdelay $0x3  }
0x33: {  	p0 =	seq.s32 s10, $0x1;
	s10 =	sld [smem:$0x3FB6];
	_ =	sdelay $0x3  }
0x34: {  	[smem:$0x3FB6] =	sst s10  }
0x35: {  	s10 =	sld [smem:$0x3FB5];
	_ =	sdelay $0x3  }
0x36: {  	p1 =	seq.s32 s10, $0x1;
	s10 =	sld [smem:$0x3FB6];
	_ =	sdelay $0x3  }
0x37: {  	[smem:$0x3FB6] =	sst s10  }
0x38: {  	s10 =	sld [smem:$0x3FB7]  }
0x39: {  	_ = 	snop;
	(pc) =	sbr.ind lr, $3  }
0x3a: {  	_ = 	snop  }
0x3b: {  	_ = 	snop  }
0x3c: {  	p2 =	seq.s32 s10, $0x1;
	s10 =	sld [smem:$0x3FB6]  }
0x3d: {  	_ =	shalt  }
0x3e: {  	_ =	shalt  }
0x3f: {  	_ =	shalt  }
0x40: {  	_ =	shalt  }
0x41: {  	_ =	shalt  }
0x42: {  	_ =	shalt  }
0x43: {  	_ =	shalt  }
0x44: {  	_ =	shalt  }
0x45: {  	_ =	shalt  }
0x46: {  	_ =	shalt  }
0x47: {  	_ =	shalt  }
0x48: {  	_ =	shalt  }
0x49: {  	_ =	shalt  }
0x4a: {  	_ =	shalt  }
0x4b: {  	_ =	shalt  }
0x4c: {  	_ =	shalt  }
0x4d: {  	_ =	shalt  }
0x4e: {  	_ =	shalt  }
0x4f: {  	_ =	shalt  }
0x50: {  	_ =	shalt  }
0x51: {  	_ =	shalt  }
0x52: {  	_ =	shalt  }
0x53: {  	_ =	shalt  }
0x54: {  	_ =	shalt  }
0x55: {  	_ =	shalt  }
0x56: {  	_ =	shalt  }
0x57: {  	_ =	shalt  }
0x58: {  	_ =	shalt  }
0x59: {  	_ =	shalt  }
0x5a: {  	_ =	shalt  }
0x5b: {  	_ =	shalt  }
0x5c: {  	_ =	shalt  }
0x5d: {  	_ =	shalt  }
0x5e: {  	_ =	shalt  }
0x5f: {  	_ =	shalt  }
0x60: {  	_ =	shalt  }
0x61: {  	_ =	shalt  }
0x62: {  	_ =	shalt  }
0x63: {  	_ =	shalt  }
0x64: {  	_ =	shalt  }
0x65: {  	_ =	shalt  }
0x66: {  	_ =	shalt  }
0x67: {  	_ =	shalt  }
0x68: {  	_ =	shalt  }
0x69: {  	_ =	shalt  }
0x6a: {  	_ =	shalt  }
0x6b: {  	_ =	shalt  }
0x6c: {  	_ =	shalt  }
0x6d: {  	_ =	shalt  }
0x6e: {  	_ =	shalt  }
0x6f: {  	_ =	shalt  }
0x70: {  	_ =	shalt  }
0x71: {  	_ =	shalt  }
0x72: {  	_ =	shalt  }
0x73: {  	_ =	shalt  }
0x74: {  	_ =	shalt  }
0x75: {  	_ =	shalt  }
0x76: {  	_ =	shalt  }
0x77: {  	_ =	shalt  }
0x78: {  	_ =	shalt  }
0x79: {  	_ =	shalt  }
0x7a: {  	_ =	shalt  }
0x7b: {  	_ =	shalt  }
0x7c: {  	_ =	shalt  }
0x7d: {  	_ =	shalt  }
0x7e: {  	_ =	shalt  }
0x7f: {  	_ =	shalt  }
0x80: {  	_ =	shalt  }
0x81: {  	_ =	shalt  }
0x82: {  	_ =	shalt  }
0x83: {  	_ =	shalt  }
0x84: {  	_ =	shalt  }
0x85: {  	_ =	shalt  }
0x86: {  	_ =	shalt  }
0x87: {  	_ =	shalt  }
.Lfunc_end0:
.L_simem_size_0:
called_computation.2_lowered:
.L_overlay_start_0:
0x88: {  	s2 =	sld [smem:$0x3FD9]  }
0x89: {  	s3 =	sld [smem:$0x3FFE];
	_ =	sdelay $0x1  }
0x8a: {  	s1 =	srdreg.scid  }
0x8b: {  	s0 =	sand.u32 $0x1, s1  }
0x8c: {  	s17 =	sshll.u32 s0, $0xA;
	s2 =	sadd.s32 s3, s2  }
0x8d: {  	s2 =	sadd.s32 s2, s17  }
0x8e: {  	[smem:$0x3FC2] =	sst s2  }
0x8f: {  	_ = 	snop  }
0x90: {  	s2 =	sld [smem:$0x3FD0];
	(tm) =	ssettm $0x1  }
0x91: {  	s18 =	sld [smem:$0x3FFB];
	_ =	sdelay $0x3  }
0x92: {  	_ =	strace s18  }
0x93: {  	s3 =	sld [smem:$0x3FFC];
	_ =	sdelay $0x3  }
0x94: {  	_ =	strace s3  }
0x95: {  	s3 =	sld [smem:$0x3FFD];
	_ =	sdelay $0x3  }
0x96: {  	_ =	strace s3  }
0x97: {  	_ =	strace $0x8FFFFFFF  }
0x98: {  	s19 =	sld [smem:$0x3FDB];
	_ =	sdelay $0x1  }
0x99: {  	s4 =	simm.s32 $_scs_section_size  }
0x9a: {  	s5 =	simm.s32 $_size__tile_overlayer_lowered;
	s6 =	simm.s32 $_tile_overlayer_lowered  }
0x9b: {  	s22 =	simm.s32 $0x1BFF;
	s21 =	sshll.u32 s6, $0x1;
	s3 =	sadd.s32 s4, s19  }
0x9c: {  	s7 =	simm.s32 $0x0;
	s20 =	sshll.u32 s5, $0x1;
	s5 =	sadd.s32 s21, s3  }
0x9d: {  	[timem:s7], [sflag:s22] =	dma.local [hbm:s5], s20  }
0x9e: {  	_ =	swait.ge [sflag:s22], s20  }
0x9f: {  	s4 =	ssub.s32 $0x0, s20;
	[sflag:s22] =	ssyncset.done $0x0  }
0xa0: {  	[sflag:s22] =	ssyncadd.s32 s4;
	_ =	sdelay $0x1  }
0xa1: {  	s23 =	simm.s32 $0x1B8B  }
0xa2: {  	_ =	swait.ge [sflag:s23], $0x1  }
0xa3: {  	[sflag:s23] =	ssyncset.done $0x0  }
0xa4: {  	s25 =	simm.s32 $0x1B8E;
	s24 =	sld [smem:$0x3FFE];
	[sflag:s23] =	ssyncadd.s32 $0xFFFFFFFF  }
0xa5: {  	s26 =	simm.s32 $execute0_lowered;
	[smem:$0x3FD2] =	sst s25  }
0xa6: {  	s5 =	sshll.u32 s26, $0x1;
	_ =	strace $0x8000004C;
	[dreg:$0x1] =	wrdreg $0xFFFFFFFF  }
0xa7: {  	s28 =	simm.s32 $_size_execute0_lowered;
	s3 =	sadd.s32 s3, s5;
	[dreg:$0x0] =	wrdreg $0x0  }
0xa8: {  	s5 =	sshll.u32 s28, $0x1;
	[dreg:$0x2] =	wrdreg s3  }
0xa9: {  	[dreg:$0x3] =	wrdreg s5  }
0xaa: {  	[dreg:$0x4] =	wrdreg $0xC0  }
0xab: {  	_ =	task [dreg:s7], $0x5FFFF  }
0xac: {  	[dreg:$0x1] =	wrdreg $0xFFFFFFFF  }
0xad: {  	[dreg:$0x0] =	wrdreg $0x60  }
0xae: {  	[dreg:$0x2] =	wrdreg s2  }
0xaf: {  	[dreg:$0x3] =	wrdreg s24  }
0xb0: {  	[dreg:$0x4] =	wrdreg $0x87800  }
0xb1: {  	[dreg:$0x5] =	wrdreg $0xAF000  }
0xb2: {  	[dreg:$0x6] =	wrdreg $0x9  }
0xb3: {  	_ =	task.clear_ibuf [dreg:s7], $0x7FFFF;
	_ =	strace $0x9000004C  }
0xb4: {  	s29 =	simm.s32 $0x9;
	_ =	strace $0x8000004E  }
0xb5: {  	_ =	swait.ge [sflag:s29], $0x1  }
0xb6: {  	[sflag:s29] =	ssyncadd.s32 $0xFFFFFFFF  }
0xb7: {  	_ =	strace $0x9000004E  }
0xb8: {  	_ =	sfence  }
0xb9: {  	s30 =	sld [smem:$0x0];
	_ =	sdelay $0x2  }
0xba: {  	s31 =	sshll.u32 s1, $0xD;
	s1 =	sshrl.u32 s1, $0x2  }
0xbb: {  	s3 =	sand.u32 $0x4000, s31;
	s1 =	sadd.s32 s1, s30  }
0xbc: {  	s0 =	sor.u32 s3, s0;
	s1 =	sshll.u32 s1, $0x11  }
0xbd: {  	s0 =	sor.u32 s1, s0  }
0xbe: {  	s0 =	sadd.s32 $0x8F2B, s0  }
0xbf: {  	[sflag:s0] =	ssyncadd.remote.s32 $0x1  }
0xc0: {  	_ =	sfence.sel $0xFFFF  }
0xc1: {  	[dreg:$0x0] =	wrdreg $0xFFFFFFFF;
	(pc) =	sbr.abs _section_cstart, $3  }
0xc2: {  	[dreg:$0x1] =	wrdreg $0xFFFFFFFF  }
0xc3: {  	_ =	task.clear_ibuf [dreg:s7], $0x2FFFF;
	_ =	strace $0x9FFFFFFF  }
0xc4: {  	(tm) =	ssettm $0x7FFFFFFF  }
0xc5: {  	_ =	shalt  }
tec
execute0_lowered:
.L_overlay_start_1:
0x0: {  	(tag) =	ssettag $0x1  }
0x1: {  	s5 =	rddreg [dreg:$0x0]  }
0x2: {  	s6 =	rddreg [dreg:$0x1]  }
0x3: {  	s1 =	srdreg.scid;
	s2 =	rddreg [dreg:$0x2]  }
0x4: {  	s0 =	stileid.u32;
	s3 =	rddreg [dreg:$0x3]  }
0x5: {  	s4 =	simm.s32 $0x0;
	s16 =	simm.s32 $0x80;
	s17 =	simm.s32 $0x5000  }
0x6: {  	s18 =	simm.s32 $0x5800;
	s19 =	simm.s32 $0x3;
	s20 =	simm.s32 $0x2  }
0x7: {  	s21 =	simm.s32 $0x0;
	s7 =	sand.u32 $0x1, s1;
	s30 =	sshll.u32 s0, $0x1  }
0x8: {  	s9 =	smul.u32 $0x2780, s0;
	[smem:$0x7FF] =	sst s4;
	s31 =	sshll.u32 s0, $0x6  }
0x9: {  	s1 =	sor.u32 s7, s30;
	s10 =	smul.u32 $0x27800, s7;
	_ =	strace $0x8000004D  }
0xa: {  	s7 =	ssub.s32 $0x2, s7;
	s8 =	smul.u32 $0x500, s1;
	s12 =	sshrl.u32 s9, $0x3  }
0xb: {  	s13 =	sshrl.u32 s7, $0x1;
	s14 =	sadd.s32 s9, s2;
	s10 =	sadd.s32 s9, s10  }
0xc: {  	s12 =	sadd.s32 s12, s6;
	s13 =	ssub.s32 s7, s13;
	s14 =	sshrl.u32 s14, $0x3  }
0xd: {  	s11 =	sadd.s32 s8, s6;
	s10 =	sshrl.u32 s10, $0x3;
	s5 =	sadd.s32 s5, s8  }
0xe: {  	s7 =	sadd.s32 $0xC200, s12;
	s8 =	sadd.s32 s9, s3;
	s12 =	simm.s32 $0x2800  }
0xf: {  	s10 =	sadd.s32 s10, s6;
	s6 =	sadd.s32 $0x2200, s11;
	s11 =	simm.s32 $0x5  }
0x10: {  	v0 =	vimm.f32 $0.0e+00;
	s9 =	sadd.s32 $0x11200, s10;
	s10 =	smax.u32 s13, $0x1;
	s13 =	sor.u32 $0x1C05, s31  }
.LBB2_1:
0x11: {  	[tilespmem:s4], [sflag:$0x5] =	stream.linear.gather [hbm4b:s5+s4], $0x2800, $0x38;
	[tilespmem:$0xD680] =	vst v63  }
0x12: {  	_ =	swait.ge [sflag:s11], $0x2800  }
0x13: {  	[sflag:s11] =	ssyncset.done $0x0  }
0x14: {  	[sflag:s11] =	ssyncadd.s32 $0xFFFFD800  }
0x15: {  	[tilespmem:s12], [sflag:$0x5] =	stream.linear.gather [hbm4b:s6+s4], $0x2800, $0x38;
	[tilespmem:$0xD680] =	vst v63  }
0x16: {  	_ =	swait.ge [sflag:s11], $0x2800  }
0x17: {  	[sflag:s11] =	ssyncset.done $0x0  }
0x18: {  	[sflag:s11] =	ssyncadd.s32 $0xFFFFD800  }
0x19: {  	[spmem:s14], [sflag:s13] =	dma.local [hbm:s7], $0x4F0  }
0x1a: {  	_ =	swait.ge [sflag:s11], $0x4F0  }
0x1b: {  	[sflag:s11] =	ssyncset.done $0x0  }
0x1c: {  	s22 =	simm.s32 $0x40;
	s23 =	simm.s32 $0x0;
	[sflag:s11] =	ssyncadd.s32 $0xFFFFFB10  }
.LBB2_2:
0x1d: {  	p0 =	sne.s32 s22, $0x9DC0;
	[tilespmem:s23+$0x6000] =	vst v0;
	s23 =	smov.u32 s22;
	s22 =	sadd.s32 $0x40, s22  }
.Ltmp0:
0x1e: {  	(pc) =	sbr.rel @p0 .LBB2_2-.Ltmp0, $2  }
0x1f: {  	_ =	sdelay $0x2  }
0x20: {  	s23 =	sshra.s32 s23, $0x2  }
0x21: {  	[tilespmem:s23+$0x6000] =	vst v0;
	s0 =	simm.s32 $0x6000  }
0x22: {  	[spmem:s8] =	stream.linear.scatter [tilespmem:s0], [sflag:$0x5], $0x2780, $0x38;
	[tilespmem:$0xD680] =	vst v63  }
0x23: {  	_ =	swait.ge [sflag:s11], $0x2780  }
0x24: {  	[sflag:s11] =	ssyncset.done $0x0  }
0x25: {  	[sflag:s11] =	ssyncadd.s32 $0xFFFFD880  }
0x26: {  	[bflag:$0x0] =	sbarrier.arrive $0xFFFF  }
0x27: {  	[tilespmem:s17], [sflag:$0x1] =	stream.indirect.gather [spmem:s2], $0x10, s4, s16, $0xb8;
	[tilespmem:$0xD680] =	vst v63  }
0x28: {  	s22 =	simm.s32 $0x1  }
0x29: {  	[tilespmem:s18], [sflag:$0x2] =	stream.indirect.gather [spmem:s2], $0x10, s16, s16, $0xb8;
	[tilespmem:$0xD680] =	vst v63  }
0x2a: {  	s26 =	simm.s32 $0x2880;
	s30 =	sand.u32 $0x1, s22;
	_ =	swait.ge [sflag:s22], $0x800  }
0x2b: {  	s24 =	simm.s32 $0x100;
	s15 =	sxor.u32 $0x1, s30;
	[sflag:s22] =	ssyncset.done $0x0  }
0x2c: {  	s31 =	simm.s32 $0x2;
	s25 =	sadd.s32 $0x3, s15;
	[sflag:s22] =	ssyncadd.s32 $0xFFFFF800  }
0x2d: {  	[spmem:s3] =	stream.indirect.scatter.add.f32 [tilespmem:s17], [sflag:$0x3], $0x10, s12, s16, $0xb8;
	[tilespmem:$0xD680] =	vst v63  }
0x2e: {  	s29 =	sshll.u32 s30, $0xB;
	s28 =	sshll.u32 s15, $0xB;
	_ =	swait.ge [sflag:s25], $0x800  }
0x2f: {  	s23 =	sadd.s32 $0x1, s15;
	s28 =	sor.u32 $0x5000, s28;
	[sflag:s25] =	ssyncset.done $0x0  }
0x30: {  	s22 =	sand.u32 $0x1, s31;
	s31 =	sadd.s32 $0x1, s30;
	[sflag:s25] =	ssyncadd.s32 $0xFFFFF800  }
0x31: {  	[tilespmem:s28], [sflag:s23] =	stream.indirect.gather [spmem:s2], $0x10, s24, s16, $0xb8;
	[tilespmem:$0xD680] =	vst v63  }
0x32: {  	s29 =	sor.u32 $0x5000, s29;
	s30 =	sadd.s32 $0x3, s30;
	_ =	swait.ge [sflag:s31], $0x800  }
0x33: {  	s25 =	simm.s32 $0x180;
	s28 =	simm.s32 $0x3;
	[sflag:s31] =	ssyncset.done $0x0  }
0x34: {  	s24 =	sshll.u32 s22, $0xB;
	s23 =	simm.s32 $0x2900;
	[sflag:s31] =	ssyncadd.s32 $0xFFFFF800  }
.LBB2_4:
0x35: {  	[spmem:s3] =	stream.indirect.scatter.add.f32 [tilespmem:s29], [sflag:s30], $0x10, s26, s16, $0xb8;
	[tilespmem:$0xD680] =	vst v63  }
0x36: {  	s30 =	smov.u32 s22;
	s22 =	smov.u32 s28;
	s29 =	smov.u32 s24  }
0x37: {  	s31 =	sadd.s32 $0x1, s28;
	s22 =	sand.u32 $0x1, s22;
	s1 =	sxor.u32 $0x1, s30  }
0x38: {  	s24 =	sshll.u32 s22, $0xB;
	s0 =	sshll.u32 s1, $0xB;
	s15 =	sadd.s32 $0x3, s1  }
0x39: {  	p0 =	sne.s32 s28, $0x4E;
	s26 =	smov.u32 s23;
	_ =	swait.ge [sflag:s15], $0x800  }
0x3a: {  	s28 =	sadd.s32 $0x1, s30;
	s1 =	sadd.s32 $0x1, s1;
	[sflag:s15] =	ssyncset.done $0x0  }
.Ltmp1:
0x3b: {  	s0 =	sor.u32 $0x5000, s0;
	[sflag:s15] =	ssyncadd.s32 $0xFFFFF800;
	(pc) =	sbr.rel @p0 .LBB2_4-.Ltmp1, $4  }
0x3c: {  	[tilespmem:s0], [sflag:s1] =	stream.indirect.gather [spmem:s2], $0x10, s25, s16, $0xb8;
	[tilespmem:$0xD680] =	vst v63  }
0x3d: {  	s23 =	sadd.s32 $0x80, s23;
	_ =	swait.ge [sflag:s28], $0x800  }
0x3e: {  	s29 =	sor.u32 $0x5000, s29;
	s25 =	sadd.s32 $0x80, s25;
	[sflag:s28] =	ssyncset.done $0x0  }
0x3f: {  	s30 =	sadd.s32 $0x3, s30;
	[sflag:s28] =	ssyncadd.s32 $0xFFFFF800;
	s28 =	smov.u32 s31  }
0x40: {  	[spmem:s3] =	stream.indirect.scatter.add.f32 [tilespmem:s29], [sflag:s30], $0x10, s26, s16, $0xb8;
	[tilespmem:$0xD680] =	vst v63  }
0x41: {  	s0 =	sxor.u32 $0x1, s22  }
0x42: {  	s1 =	sadd.s32 $0x3, s0  }
0x43: {  	_ =	swait.ge [sflag:s1], $0x800  }
0x44: {  	s28 =	sadd.s32 $0x1, s22;
	s15 =	sshll.u32 s0, $0xB;
	[sflag:s1] =	ssyncset.done $0x0  }
0x45: {  	s0 =	sadd.s32 $0x1, s0;
	s15 =	sor.u32 $0x5000, s15;
	[sflag:s1] =	ssyncadd.s32 $0xFFFFF800  }
0x46: {  	[tilespmem:s15], [sflag:s0] =	stream.indirect.gather [spmem:s2], $0x10, s25, s16, $0xb8;
	[tilespmem:$0xD680] =	vst v63  }
0x47: {  	_ =	swait.ge [sflag:s28], $0x800  }
0x48: {  	[sflag:s28] =	ssyncset.done $0x0  }
0x49: {  	s29 =	sor.u32 $0x5000, s24;
	s30 =	sadd.s32 $0x3, s22;
	[sflag:s28] =	ssyncadd.s32 $0xFFFFF800  }
0x4a: {  	[spmem:s3] =	stream.indirect.scatter.add.f32 [tilespmem:s29], [sflag:s30], $0x10, s23, s16, $0xb8;
	[tilespmem:$0xD680] =	vst v63  }
0x4b: {  	_ =	swait.ge [sflag:s19], $0x800  }
0x4c: {  	[sflag:s19] =	ssyncset.done $0x0  }
0x4d: {  	[sflag:s19] =	ssyncadd.s32 $0xFFFFF800  }
0x4e: {  	_ =	swait.ge [sflag:s20], $0x800  }
0x4f: {  	s21 =	sadd.s32 $0x1, s21;
	[sflag:s20] =	ssyncset.done $0x0  }
0x50: {  	p0 =	sne.s32 s21, s10;
	[sflag:s20] =	ssyncadd.s32 $0xFFFFF800  }
.Ltmp2:
0x51: {  	s31 =	sshrl.u32 s8, $0x3;
	[bflag:$0x0] =	sbarrier.arrive $0xFFFF;
	(pc) =	sbr.rel @p0 .LBB2_1-.Ltmp2, $4  }
0x52: {  	[hbm:s9], [sflag:s13] =	dma.local [spmem:s31], $0x4F0  }
0x53: {  	_ =	swait.ge [sflag:s11], $0x4F0  }
0x54: {  	[sflag:s11] =	ssyncset.done $0x0  }
0x55: {  	[sflag:s11] =	ssyncadd.s32 $0xFFFFFB10  }
0x56: {  	_ =	sfence.sel $0x180000  }
0x57: {  	[bflag:$0x0] =	sbarrier.arrive $0xFFFF  }
0x58: {  	_ =	strace $0x9000004D  }
0x59: {  	s0 =	stileid.u32;
	[bflag:$0x2] =	sbarrier.arrive $0xFFFF  }
0x5a: {  	p0 =	sne.s32 s0, $0x0;
	s0 =	rddreg [dreg:$0x4]  }
0x5b: {  	s0 =	sadd.s32 @!p0 $0x100000, s0  }
0x5c: {  	[sflag:s0] =	ssyncadd.tile.s32 @!p0 $0x1;
	_ =	shalt  }
.Lfunc_end2:
_tile_overlayer_lowered:
.L_overlay_start_2:
0x5d: {  	(tag) =	ssettag $0x2  }
0x5e: {  	s0 =	rddreg [dreg:$0x0];
	s2 =	stileid.u32  }
0x5f: {  	s1 =	rddreg [dreg:$0x1];
	p0 =	sne.s32 s2, $0x0  }
0x60: {  	s3 =	rddreg [dreg:$0x2];
	[bflag:$0x3] =	sbarrier.arrive $0xFFFF;
	s2 =	simm.s32 @!p0 $0x1C05  }
0x61: {  	[timem:s3], [sflag:s2] =	dma.local @!p0 [hbm:s0], s1  }
0x62: {  	s0 =	simm.s32 @!p0 $0x5  }
0x63: {  	_ =	swait.ge @!p0 [sflag:s0], s1  }
0x64: {  	s1 =	ssub.s32 @!p0 $0x0, s1;
	[sflag:s0] =	ssyncset.done @!p0 $0x0  }
0x65: {  	[sflag:s0] =	ssyncadd.s32 @!p0 s1  }
0x66: {  	[bflag:$0x3] =	sbarrier.arrive $0xFFFF  }
0x67: {  	_ =	shalt  }

// kernel: kernel.8.cloned.1.call-start
scs
__scs_entry_jumppad:
0x0: {  	(pc) =	sbr.rel $0x88, $3  }
0x1: {  	(tag) =	ssettag $0x0;
	lr =	simm.s32 $0x1  }
0x2: {  	[smem:$0x3F9B] =	sst lr;
	_ =	strace $0xD0000000  }
0x3: {  	_ = 	snop  }
0x4: {  	_ = 	snop  }
0x5: {  	_ = 	snop  }
0x6: {  	_ = 	snop  }
0x7: {  	_ = 	snop  }
__scs_overlays_trampoline_lowered:
0x8: {  	[smem:$0x3FAA] =	sst s0  }
0x9: {  	[smem:$0x3FAB] =	sst s1  }
0xa: {  	[smem:$0x3FAC] =	sst s2  }
0xb: {  	[smem:$0x3FAD] =	sst s3  }
0xc: {  	[smem:$0x3FAE] =	sst s4  }
0xd: {  	[smem:$0x3FAF] =	sst s5  }
0xe: {  	[smem:$0x3FB0] =	sst s6  }
0xf: {  	[smem:$0x3FB1] =	sst s7  }
0x10: {  	[smem:$0x3FB2] =	sst s8  }
0x11: {  	[smem:$0x3FB3] =	sst s9;
	s0 =	simm.s32 @!p0 $0x0  }
0x12: {  	s1 =	sld [smem:$0x3F99];
	s0 =	simm.s32 @p0 $0x1  }
0x13: {  	[smem:$0x3FB4] =	sst s0;
	s0 =	simm.s32 @!p1 $0x0  }
0x14: {  	s2 =	sld [smem:$0x3F98];
	s0 =	simm.s32 @p1 $0x1  }
0x15: {  	[smem:$0x3FB5] =	sst s0;
	s0 =	simm.s32 @!p2 $0x0  }
0x16: {  	s3 =	sld [smem:$0x3FDB];
	s0 =	simm.s32 @p2 $0x1  }
0x17: {  	s4 =	simm.s32 $0x1BF5;
	[smem:$0x3FB7] =	sst s0  }
0x18: {  	s0 =	sld [smem:$0x3F9A];
	_ =	swait.ge [sflag:s4], $0x0  }
0x19: {  	s7 =	sld [smem:$0x3F9B]  }
0x1a: {  	s8 =	sadd.s32 $0xFFFFE003, lr  }
0x1b: {  	s9 =	sadd.s32 $0xFFFFFEF7, lr;
	s5 =	simm.s32 $0xFFFFFFFF;
	p2 =	slt.u32 s8, $0xFFFFF086  }
0x1c: {  	p1 =	slt.u32 s9, $0xF7A;
	s5 =	simm.s32 @!p2 $0x0  }
0x1d: {  	s5 =	simm.s32 @p1 $0x1;
	p0 =	seq.s32 s7, s2  }
0x1e: {  	s7 =	smul.u32 @!p0 $0xF7A, s2;
	p2 =	seq.s32 @!p0 s5, $0x0  }
0x1f: {  	s9 =	smul.u32 $0xF7A, s1;
	s8 =	simm.s32 @!p0 $0x1BF5;
	p2 =	por !p2, p0  }
0x20: {  	[sflag:s8] =	ssyncset.s32 @!p0 $0xFFFFF086;
	s6 =	sadd.s32 @!p0 s3, s7;
	s7 =	simm.s32 @!p0 $0x108  }
0x21: {  	s3 =	sadd.s32 s3, s9;
	s6 =	sadd.s32 @!p0 $0x88, s6;
	s7 =	simm.s32 @p2 $0x1082  }
0x22: {  	[simem:s7], [sflag:s8] =	dma.local @!p0 [hbm:s6], $0xF7A  }
0x23: {  	s9 =	sor.u32 $0xD0000000, s2;
	s6 =	simm.s32 $0x108;
	_ =	swait.ge @!p0 [sflag:s8], $0x0  }
0x24: {  	s3 =	sadd.s32 $0x88, s3;
	s6 =	simm.s32 @!p1 $0x1082;
	[sflag:s4] =	ssyncset.s32 $0xFFFFF086  }
0x25: {  	[simem:s6], [sflag:s4] =	dma.local [hbm:s3], $0xF7A  }
0x26: {  	[smem:$0x3F9B] =	sst s1;
	(tag) =	ssettag s2;
	_ =	strace s9  }
0x27: {  	s1 =	sld [smem:$0x3FAB]  }
0x28: {  	s2 =	sld [smem:$0x3FAC]  }
0x29: {  	s4 =	sld [smem:$0x3FAE]  }
0x2a: {  	p0 =	seq.s32 s5, $0x0;
	s5 =	sld [smem:$0x3FAF]  }
0x2b: {  	s6 =	sld [smem:$0x3FB0]  }
0x2c: {  	s7 =	sld [smem:$0x3FB1]  }
0x2d: {  	s3 =	simm.s32 $0x108;
	s8 =	sld [smem:$0x3FB2]  }
0x2e: {  	s3 =	simm.s32 @!p0 $0x1082;
	s9 =	sld [smem:$0x3FB3]  }
0x2f: {  	lr =	sadd.s32 s0, s3;
	s0 =	sld [smem:$0x3FAA]  }
0x30: {  	s3 =	sld [smem:$0x3FAD]  }
0x31: {  	[smem:$0x3FB6] =	sst s10  }
0x32: {  	s10 =	sld [smem:$0x3FB4];
	_ =	sdelay $0x3  }
0x33: {  	p0 =	seq.s32 s10, $0x1;
	s10 =	sld [smem:$0x3FB6];
	_ =	sdelay $0x3  }
0x34: {  	[smem:$0x3FB6] =	sst s10  }
0x35: {  	s10 =	sld [smem:$0x3FB5];
	_ =	sdelay $0x3  }
0x36: {  	p1 =	seq.s32 s10, $0x1;
	s10 =	sld [smem:$0x3FB6];
	_ =	sdelay $0x3  }
0x37: {  	[smem:$0x3FB6] =	sst s10  }
0x38: {  	s10 =	sld [smem:$0x3FB7]  }
0x39: {  	_ = 	snop;
	(pc) =	sbr.ind lr, $3  }
0x3a: {  	_ = 	snop  }
0x3b: {  	_ = 	snop  }
0x3c: {  	p2 =	seq.s32 s10, $0x1;
	s10 =	sld [smem:$0x3FB6]  }
0x3d: {  	_ =	shalt  }
0x3e: {  	_ =	shalt  }
0x3f: {  	_ =	shalt  }
0x40: {  	_ =	shalt  }
0x41: {  	_ =	shalt  }
0x42: {  	_ =	shalt  }
0x43: {  	_ =	shalt  }
0x44: {  	_ =	shalt  }
0x45: {  	_ =	shalt  }
0x46: {  	_ =	shalt  }
0x47: {  	_ =	shalt  }
0x48: {  	_ =	shalt  }
0x49: {  	_ =	shalt  }
0x4a: {  	_ =	shalt  }
0x4b: {  	_ =	shalt  }
0x4c: {  	_ =	shalt  }
0x4d: {  	_ =	shalt  }
0x4e: {  	_ =	shalt  }
0x4f: {  	_ =	shalt  }
0x50: {  	_ =	shalt  }
0x51: {  	_ =	shalt  }
0x52: {  	_ =	shalt  }
0x53: {  	_ =	shalt  }
0x54: {  	_ =	shalt  }
0x55: {  	_ =	shalt  }
0x56: {  	_ =	shalt  }
0x57: {  	_ =	shalt  }
0x58: {  	_ =	shalt  }
0x59: {  	_ =	shalt  }
0x5a: {  	_ =	shalt  }
0x5b: {  	_ =	shalt  }
0x5c: {  	_ =	shalt  }
0x5d: {  	_ =	shalt  }
0x5e: {  	_ =	shalt  }
0x5f: {  	_ =	shalt  }
0x60: {  	_ =	shalt  }
0x61: {  	_ =	shalt  }
0x62: {  	_ =	shalt  }
0x63: {  	_ =	shalt  }
0x64: {  	_ =	shalt  }
0x65: {  	_ =	shalt  }
0x66: {  	_ =	shalt  }
0x67: {  	_ =	shalt  }
0x68: {  	_ =	shalt  }
0x69: {  	_ =	shalt  }
0x6a: {  	_ =	shalt  }
0x6b: {  	_ =	shalt  }
0x6c: {  	_ =	shalt  }
0x6d: {  	_ =	shalt  }
0x6e: {  	_ =	shalt  }
0x6f: {  	_ =	shalt  }
0x70: {  	_ =	shalt  }
0x71: {  	_ =	shalt  }
0x72: {  	_ =	shalt  }
0x73: {  	_ =	shalt  }
0x74: {  	_ =	shalt  }
0x75: {  	_ =	shalt  }
0x76: {  	_ =	shalt  }
0x77: {  	_ =	shalt  }
0x78: {  	_ =	shalt  }
0x79: {  	_ =	shalt  }
0x7a: {  	_ =	shalt  }
0x7b: {  	_ =	shalt  }
0x7c: {  	_ =	shalt  }
0x7d: {  	_ =	shalt  }
0x7e: {  	_ =	shalt  }
0x7f: {  	_ =	shalt  }
0x80: {  	_ =	shalt  }
0x81: {  	_ =	shalt  }
0x82: {  	_ =	shalt  }
0x83: {  	_ =	shalt  }
0x84: {  	_ =	shalt  }
0x85: {  	_ =	shalt  }
0x86: {  	_ =	shalt  }
0x87: {  	_ =	shalt  }
.Lfunc_end0:
.L_simem_size_0:
called_computation_lowered:
.L_overlay_start_0:
0x88: {  	s2 =	sld [smem:$0x3FD9]  }
0x89: {  	s3 =	sld [smem:$0x3FFE];
	_ =	sdelay $0x1  }
0x8a: {  	s1 =	srdreg.scid  }
0x8b: {  	s0 =	sand.u32 $0x1, s1  }
0x8c: {  	s16 =	sshll.u32 s0, $0xA;
	s2 =	sadd.s32 s3, s2  }
0x8d: {  	s2 =	sadd.s32 s2, s16  }
0x8e: {  	[smem:$0x3FC2] =	sst s2  }
0x8f: {  	_ = 	snop  }
0x90: {  	(tm) =	ssettm $0x1  }
0x91: {  	s17 =	sld [smem:$0x3FFB];
	_ =	sdelay $0x3  }
0x92: {  	_ =	strace s17  }
0x93: {  	s2 =	sld [smem:$0x3FFC];
	_ =	sdelay $0x3  }
0x94: {  	_ =	strace s2  }
0x95: {  	s2 =	sld [smem:$0x3FFD];
	_ =	sdelay $0x3  }
0x96: {  	_ =	strace s2  }
0x97: {  	_ =	strace $0x8FFFFFFF  }
0x98: {  	s18 =	sld [smem:$0x3FDB];
	_ =	sdelay $0x1  }
0x99: {  	s19 =	simm.s32 $_scs_section_size  }
0x9a: {  	s4 =	simm.s32 $_size__tile_overlayer_lowered;
	s5 =	simm.s32 $_tile_overlayer_lowered  }
0x9b: {  	s22 =	simm.s32 $0x1BFF;
	s21 =	sshll.u32 s5, $0x1;
	s2 =	sadd.s32 s19, s18  }
0x9c: {  	s6 =	simm.s32 $0x0;
	s20 =	sshll.u32 s4, $0x1;
	s4 =	sadd.s32 s21, s2  }
0x9d: {  	[timem:s6], [sflag:s22] =	dma.local [hbm:s4], s20  }
0x9e: {  	_ =	swait.ge [sflag:s22], s20  }
0x9f: {  	s3 =	ssub.s32 $0x0, s20;
	[sflag:s22] =	ssyncset.done $0x0  }
0xa0: {  	[sflag:s22] =	ssyncadd.s32 s3;
	_ =	sdelay $0x1  }
0xa1: {  	s23 =	simm.s32 $0x1B8B  }
0xa2: {  	_ =	swait.ge [sflag:s23], $0x1  }
0xa3: {  	[sflag:s23] =	ssyncset.done $0x0  }
0xa4: {  	s25 =	simm.s32 $0x1B8E;
	s24 =	sld [smem:$0x3FFE];
	[sflag:s23] =	ssyncadd.s32 $0xFFFFFFFF  }
0xa5: {  	s26 =	simm.s32 $execute0_lowered;
	[smem:$0x3FD2] =	sst s25  }
0xa6: {  	s4 =	sshll.u32 s26, $0x1;
	_ =	strace $0x80000046;
	[dreg:$0x1] =	wrdreg $0xFFFFFFFF  }
0xa7: {  	s28 =	simm.s32 $_size_execute0_lowered;
	s2 =	sadd.s32 s2, s4;
	[dreg:$0x0] =	wrdreg $0x0  }
0xa8: {  	s4 =	sshll.u32 s28, $0x1;
	[dreg:$0x2] =	wrdreg s2  }
0xa9: {  	[dreg:$0x3] =	wrdreg s4  }
0xaa: {  	[dreg:$0x4] =	wrdreg $0xC0  }
0xab: {  	_ =	task [dreg:s6], $0x5FFFF  }
0xac: {  	[dreg:$0x1] =	wrdreg $0xFFFFFFFF  }
0xad: {  	[dreg:$0x0] =	wrdreg $0x60  }
0xae: {  	[dreg:$0x2] =	wrdreg s24  }
0xaf: {  	[dreg:$0x3] =	wrdreg $0x2AF80  }
0xb0: {  	[dreg:$0x4] =	wrdreg $0x9  }
0xb1: {  	_ =	task.clear_ibuf [dreg:s6], $0x5FFFF;
	_ =	strace $0x90000046  }
0xb2: {  	s29 =	simm.s32 $0x9;
	_ =	strace $0x80000048  }
0xb3: {  	_ =	swait.ge [sflag:s29], $0x1  }
0xb4: {  	[sflag:s29] =	ssyncadd.s32 $0xFFFFFFFF  }
0xb5: {  	_ =	strace $0x90000048  }
0xb6: {  	_ =	sfence  }
0xb7: {  	s30 =	sld [smem:$0x0];
	_ =	sdelay $0x2  }
0xb8: {  	s31 =	sshll.u32 s1, $0xD;
	s1 =	sshrl.u32 s1, $0x2  }
0xb9: {  	s3 =	sand.u32 $0x4000, s31;
	s1 =	sadd.s32 s1, s30  }
0xba: {  	s0 =	sor.u32 s3, s0;
	s1 =	sshll.u32 s1, $0x11  }
0xbb: {  	s0 =	sor.u32 s1, s0  }
0xbc: {  	s0 =	sadd.s32 $0x8F2B, s0  }
0xbd: {  	[sflag:s0] =	ssyncadd.remote.s32 $0x1  }
0xbe: {  	_ =	sfence.sel $0xFFFF  }
0xbf: {  	[dreg:$0x0] =	wrdreg $0xFFFFFFFF;
	(pc) =	sbr.abs _section_cstart, $3  }
0xc0: {  	[dreg:$0x1] =	wrdreg $0xFFFFFFFF  }
0xc1: {  	_ =	task.clear_ibuf [dreg:s6], $0x2FFFF;
	_ =	strace $0x9FFFFFFF  }
0xc2: {  	(tm) =	ssettm $0x7FFFFFFF  }
0xc3: {  	_ =	shalt  }
tec
execute0_lowered:
.L_overlay_start_1:
0x0: {  	(tag) =	ssettag $0x1  }
0x1: {  	s4 =	rddreg [dreg:$0x0]  }
0x2: {  	s2 =	rddreg [dreg:$0x1]  }
0x3: {  	s0 =	rddreg [dreg:$0x2];
	s3 =	srdreg.scid  }
0x4: {  	s1 =	stileid.u32;
	s10 =	simm.s32 $0x2800;
	s11 =	simm.s32 $0x80  }
0x5: {  	s12 =	simm.s32 $0x1;
	s15 =	simm.s32 $0x0;
	s5 =	sand.u32 $0x1, s3  }
0x6: {  	s6 =	sshll.u32 s1, $0x1;
	s7 =	smul.u32 $0x278, s1;
	s3 =	simm.s32 $0x0  }
0x7: {  	s13 =	sshll.u32 s1, $0x6;
	s6 =	sor.u32 s5, s6;
	s8 =	smul.u32 $0x2780, s5  }
0x8: {  	[smem:$0x7FF] =	sst s3;
	s5 =	ssub.s32 $0x2, s5;
	s13 =	sor.u32 $0x1C03, s13  }
0x9: {  	s6 =	smul.u32 $0x500, s6;
	_ =	strace $0x80000047;
	s9 =	sshrl.u32 s5, $0x1  }
0xa: {  	s8 =	sadd.s32 s7, s8;
	s9 =	ssub.s32 s5, s9;
	s5 =	sadd.s32 s7, s2  }
0xb: {  	s6 =	sadd.s32 s6, s4;
	s8 =	sshrl.u32 s8, $0x3;
	s7 =	smax.u32 s9, $0x1  }
0xc: {  	s9 =	simm.s32 $0x2880;
	s14 =	sshrl.u32 s5, $0x3;
	s8 =	sadd.s32 s8, s4  }
0xd: {  	v0 =	vimm.f32 $1.000000000e+00;
	v1 =	vimm.f32 $0.0e+00;
	s4 =	sadd.s32 $0x2200, s6;
	s6 =	sadd.s32 $0xC200, s8;
	s8 =	simm.s32 $0x3  }
.LBB2_1:
0xe: {  	[tilespmem:s3], [sflag:$0x3] =	stream.linear.gather [hbm4b:s4+s3], $0x2800, $0x38;
	[tilespmem:$0x2D70] =	vst v63  }
0xf: {  	_ =	swait.ge [sflag:s8], $0x2800  }
0x10: {  	[sflag:s8] =	ssyncset.done $0x0  }
0x11: {  	[sflag:s8] =	ssyncadd.s32 $0xFFFFD800  }
0x12: {  	[tilespmem:$0x2800] =	vst v0  }
0x13: {  	[tilespmem:$0x2810] =	vst v0  }
0x14: {  	[tilespmem:$0x2820] =	vst v0  }
0x15: {  	[tilespmem:$0x2830] =	vst v0  }
0x16: {  	[tilespmem:$0x2840] =	vst v0  }
0x17: {  	[tilespmem:$0x2850] =	vst v0  }
0x18: {  	[tilespmem:$0x2860] =	vst v0  }
0x19: {  	[tilespmem:$0x2870] =	vst v0  }
0x1a: {  	[tilespmem:$0x2880] =	vst v1  }
0x1b: {  	[tilespmem:$0x2890] =	vst v1  }
0x1c: {  	[tilespmem:$0x28A0] =	vst v1  }
0x1d: {  	[tilespmem:$0x28B0] =	vst v1  }
0x1e: {  	[tilespmem:$0x28C0] =	vst v1  }
0x1f: {  	[tilespmem:$0x28D0] =	vst v1  }
0x20: {  	[tilespmem:$0x28E0] =	vst v1  }
0x21: {  	[tilespmem:$0x28F0] =	vst v1  }
0x22: {  	[tilespmem:$0x2900] =	vst v1  }
0x23: {  	[tilespmem:$0x2910] =	vst v1  }
0x24: {  	[tilespmem:$0x2920] =	vst v1  }
0x25: {  	[tilespmem:$0x2930] =	vst v1  }
0x26: {  	[tilespmem:$0x2940] =	vst v1  }
0x27: {  	[tilespmem:$0x2950] =	vst v1  }
0x28: {  	[tilespmem:$0x2960] =	vst v1  }
0x29: {  	[tilespmem:$0x2970] =	vst v1  }
0x2a: {  	[tilespmem:$0x2980] =	vst v1  }
0x2b: {  	[tilespmem:$0x2990] =	vst v1  }
0x2c: {  	[tilespmem:$0x29A0] =	vst v1  }
0x2d: {  	[tilespmem:$0x29B0] =	vst v1  }
0x2e: {  	[tilespmem:$0x29C0] =	vst v1  }
0x2f: {  	[tilespmem:$0x29D0] =	vst v1  }
0x30: {  	[tilespmem:$0x29E0] =	vst v1  }
0x31: {  	[tilespmem:$0x29F0] =	vst v1  }
0x32: {  	[tilespmem:$0x2A00] =	vst v1  }
0x33: {  	[tilespmem:$0x2A10] =	vst v1  }
0x34: {  	[tilespmem:$0x2A20] =	vst v1  }
0x35: {  	[tilespmem:$0x2A30] =	vst v1  }
0x36: {  	[tilespmem:$0x2A40] =	vst v1  }
0x37: {  	[tilespmem:$0x2A50] =	vst v1  }
0x38: {  	[tilespmem:$0x2A60] =	vst v1  }
0x39: {  	[tilespmem:$0x2A70] =	vst v1  }
0x3a: {  	[tilespmem:$0x2A80] =	vst v1  }
0x3b: {  	[tilespmem:$0x2A90] =	vst v1  }
0x3c: {  	[tilespmem:$0x2AA0] =	vst v1  }
0x3d: {  	[tilespmem:$0x2AB0] =	vst v1  }
0x3e: {  	[tilespmem:$0x2AC0] =	vst v1  }
0x3f: {  	[tilespmem:$0x2AD0] =	vst v1  }
0x40: {  	[tilespmem:$0x2AE0] =	vst v1  }
0x41: {  	[tilespmem:$0x2AE8] =	vst v1  }
0x42: {  	[spmem:s5] =	stream.linear.scatter [tilespmem:s9], [sflag:$0x3], $0x278, $0x38;
	[tilespmem:$0x2D70] =	vst v63  }
0x43: {  	_ =	swait.ge [sflag:s8], $0x278  }
0x44: {  	[sflag:s8] =	ssyncset.done $0x0  }
0x45: {  	s16 =	sand.u32 $0x1, s12;
	[sflag:s8] =	ssyncadd.s32 $0xFFFFFD88  }
0x46: {  	s17 =	sadd.s32 $0x1, s16;
	s16 =	sxor.u32 $0x1, s16;
	[bflag:$0x0] =	sbarrier.arrive $0xFFFF  }
0x47: {  	[spmem:s2] =	stream.indirect.scatter.add.f32 [tilespmem:s10], [sflag:$0x1], $0x1, s3, s11, $0xb8;
	[tilespmem:$0x2D70] =	vst v63  }
0x48: {  	s18 =	sadd.s32 $0x1, s16  }
0x49: {  	[spmem:s2] =	stream.indirect.scatter.add.f32 [tilespmem:s10], [sflag:s17], $0x1, s11, s11, $0xb8;
	[tilespmem:$0x2D70] =	vst v63  }
0x4a: {  	s16 =	simm.s32 $0x2;
	s17 =	simm.s32 $0x80;
	_ =	swait.ge [sflag:s18], $0x80  }
.LBB2_2:
0x4b: {  	s19 =	sand.u32 $0x1, s16  }
0x4c: {  	[sflag:s18] =	ssyncset.done $0x0;
	s17 =	sadd.s32 $0x80, s17;
	p0 =	sne.s32 s16, $0x4E  }
.Ltmp0:
0x4d: {  	s20 =	sadd.s32 $0x1, s19;
	[sflag:s18] =	ssyncadd.s32 $0xFFFFFF80;
	(pc) =	sbr.rel @p0 .LBB2_2-.Ltmp0, $4  }
0x4e: {  	[spmem:s2] =	stream.indirect.scatter.add.f32 [tilespmem:s10], [sflag:s20], $0x1, s17, s11, $0xb8;
	[tilespmem:$0x2D70] =	vst v63  }
0x4f: {  	s16 =	sadd.s32 $0x1, s16;
	s18 =	sxor.u32 $0x1, s19  }
0x50: {  	s18 =	sadd.s32 $0x1, s18  }
0x51: {  	_ =	swait.ge [sflag:s18], $0x80  }
0x52: {  	[sflag:s18] =	ssyncset.done $0x0  }
0x53: {  	[sflag:s18] =	ssyncadd.s32 $0xFFFFFF80  }
0x54: {  	_ =	swait.ge [sflag:s12], $0x80  }
0x55: {  	s15 =	sadd.s32 $0x1, s15;
	[sflag:s12] =	ssyncset.done $0x0  }
0x56: {  	p0 =	sne.s32 s15, s7;
	[sflag:s12] =	ssyncadd.s32 $0xFFFFFF80  }
.Ltmp1:
0x57: {  	[bflag:$0x0] =	sbarrier.arrive $0xFFFF;
	(pc) =	sbr.rel @p0 .LBB2_1-.Ltmp1, $4  }
0x58: {  	[hbm:s6], [sflag:s13] =	dma.local [spmem:s14], $0x4F  }
0x59: {  	_ =	swait.ge [sflag:s8], $0x4F  }
0x5a: {  	[sflag:s8] =	ssyncset.done $0x0  }
0x5b: {  	[sflag:s8] =	ssyncadd.s32 $0xFFFFFFB1  }
0x5c: {  	_ =	sfence.sel $0x180000  }
0x5d: {  	[bflag:$0x0] =	sbarrier.arrive $0xFFFF  }
0x5e: {  	p0 =	sne.s32 s1, $0x0;
	_ =	strace $0x90000047  }
0x5f: {  	s0 =	sadd.s32 @!p0 $0x100000, s0;
	[bflag:$0x2] =	sbarrier.arrive $0xFFFF  }
0x60: {  	[sflag:s0] =	ssyncadd.tile.s32 @!p0 $0x1;
	_ =	shalt  }
.Lfunc_end2:
_tile_overlayer_lowered:
.L_overlay_start_2:
0x61: {  	(tag) =	ssettag $0x2  }
0x62: {  	s0 =	rddreg [dreg:$0x0];
	s2 =	stileid.u32  }
0x63: {  	s1 =	rddreg [dreg:$0x1];
	p0 =	sne.s32 s2, $0x0  }
0x64: {  	s3 =	rddreg [dreg:$0x2];
	[bflag:$0x3] =	sbarrier.arrive $0xFFFF;
	s2 =	simm.s32 @!p0 $0x1C03  }
0x65: {  	[timem:s3], [sflag:s2] =	dma.local @!p0 [hbm:s0], s1  }
0x66: {  	s0 =	simm.s32 @!p0 $0x3  }
0x67: {  	_ =	swait.ge @!p0 [sflag:s0], s1  }
0x68: {  	s1 =	ssub.s32 @!p0 $0x0, s1;
	[sflag:s0] =	ssyncset.done @!p0 $0x0  }
0x69: {  	[sflag:s0] =	ssyncadd.s32 @!p0 s1  }
0x6a: {  	[bflag:$0x3] =	sbarrier.arrive $0xFFFF  }
0x6b: {  	_ =	shalt  }

</sc_bundles>
